<compile_context>
chip_gen: v7x
topology: tpu7x:2x2x1
jax: 0.10.2.dev20260603
libtpu: 0.0.44.dev20260713+nightly
codegen_flags: <defaults>
</compile_context>

<pallas_src>
import functools

import jax
import jax.numpy as jnp
from jax import lax
from jax.experimental import pallas as pl
from jax.experimental.pallas import tpu as pltpu
from jax.experimental.pallas import tpu_sc as plsc

L = 16


def _take16(v, idx):
    return lax.gather(
        v,
        idx[:, None],
        lax.GatherDimensionNumbers(
            offset_dims=(), collapsed_slice_dims=(0,), start_index_map=(0,)
        ),
        slice_sizes=(1,),
        mode=lax.GatherScatterMode.PROMISE_IN_BOUNDS,
    )


def _mean_color_sc(color, order, n_bins_pad):
    n_bands, n_rows, t_len = color.shape
    info = plsc.get_sparse_core_info()
    nw = info.num_cores * info.num_subcores
    rows_per_w = n_rows // nw
    mesh = plsc.VectorSubcoreMesh(core_axis_name="c", subcore_axis_name="s")

    in_t = [
        pltpu.VMEM((t_len,), jnp.float32),
        pltpu.VMEM((t_len,), jnp.float32),
        pltpu.VMEM((t_len,), jnp.int32),
        pltpu.VMEM((t_len,), jnp.int32),
    ]

    @functools.partial(
        pl.kernel,
        mesh=mesh,
        out_type=jax.ShapeDtypeStruct((n_rows, n_bins_pad), jnp.float32),
        compiler_params=pltpu.CompilerParams(
            needs_layout_passes=False, use_tc_tiling_on_sc=True
        ),
        scratch_types=in_t + in_t + [
            pltpu.VMEM((n_bins_pad,), jnp.float32),
            pltpu.VMEM((n_bins_pad,), jnp.float32),
            pltpu.VMEM((n_bins_pad,), jnp.float32),
            pltpu.VMEM((n_bins_pad,), jnp.float32),
            pltpu.SemaphoreType.DMA,
            pltpu.SemaphoreType.DMA,
        ],
    )
    def k(color_hbm, order_hbm, out_hbm,
          ca0, ca1, oa0, oa1, cb0, cb1, ob0, ob1,
          b0, b1, orow_a, orow_b, isem, osem):
        wid = lax.axis_index("s") * info.num_cores + lax.axis_index("c")
        row0 = wid * rows_per_w
        iota = lax.iota(jnp.int32, L)
        zeros = jnp.zeros((L,), jnp.float32)
        last_lane = jnp.full((L,), L - 1, jnp.int32)

        def issue_in(r, c0, c1, o0, o1):
            pltpu.async_copy(color_hbm.at[0, r], c0, isem)
            pltpu.async_copy(color_hbm.at[1, r], c1, isem)
            pltpu.async_copy(order_hbm.at[0, r], o0, isem)
            pltpu.async_copy(order_hbm.at[1, r], o1, isem)

        def wait_in(r, c0, c1, o0, o1):
            pltpu.make_async_copy(color_hbm.at[0, r], c0, isem).wait()
            pltpu.make_async_copy(color_hbm.at[1, r], c1, isem).wait()
            pltpu.make_async_copy(order_hbm.at[0, r], o0, isem).wait()
            pltpu.make_async_copy(order_hbm.at[1, r], o1, isem).wait()

        @plsc.parallel_loop(0, n_bins_pad, step=L, unroll=4)
        def _(i):
            s = pl.ds(i, L)
            b0[s] = zeros
            b1[s] = zeros

        issue_in(row0, ca0, ca1, oa0, oa1)

        def process_row(r, c0, c1, o0, o1, orow):
            @plsc.parallel_loop(0, t_len, step=L, unroll=8)
            def _(i):
                s = pl.ds(i, L)
                plsc.addupdate_scatter(b0, [o0[s]], c0[s])
                plsc.addupdate_scatter(b1, [o1[s]], c1[s])

            def ff_chunk(s, cy0, cy1):
                v0 = b0[s]
                v1 = b1[s]
                g0 = _take16(v0, plsc.cummax(iota, mask=v0 != 0.0))
                g1 = _take16(v1, plsc.cummax(iota, mask=v1 != 0.0))
                f0 = jnp.where(g0 != 0.0, g0, cy0)
                f1 = jnp.where(g1 != 0.0, g1, cy1)
                b0[s] = zeros
                b1[s] = zeros
                orow[s] = f0 - f1
                return _take16(f0, last_lane), _take16(f1, last_lane)

            @plsc.parallel_loop(
                0, n_bins_pad, step=L, unroll=8, carry=(zeros, zeros)
            )
            def _(i, carry):
                cy0, cy1 = carry
                return ff_chunk(pl.ds(i, L), cy0, cy1)
            pltpu.async_copy(orow, out_hbm.at[r], osem)

        def pair_body(rp, _):
            ra = row0 + 2 * rp
            rb = ra + 1
            wait_in(ra, ca0, ca1, oa0, oa1)
            issue_in(rb, cb0, cb1, ob0, ob1)

            @pl.when(rp > 0)
            def _():
                pltpu.make_async_copy(orow_a, out_hbm.at[ra - 2], osem).wait()

            process_row(ra, ca0, ca1, oa0, oa1, orow_a)

            wait_in(rb, cb0, cb1, ob0, ob1)

            @pl.when(rp + 1 < rows_per_w // 2)
            def _():
                issue_in(rb + 1, ca0, ca1, oa0, oa1)

            @pl.when(rp > 0)
            def _():
                pltpu.make_async_copy(orow_b, out_hbm.at[rb - 2], osem).wait()

            process_row(rb, cb0, cb1, ob0, ob1, orow_b)
            return 0

        lax.fori_loop(0, rows_per_w // 2, pair_body, 0)

        last = row0 + rows_per_w - 1
        pltpu.make_async_copy(orow_a, out_hbm.at[last - 1], osem).wait()
        pltpu.make_async_copy(orow_b, out_hbm.at[last], osem).wait()

    return k(color, order)


def kernel(color, Ns, order):
    n_bands = color.shape[0]
    bsz = color.shape[1]
    ns_bands, ns_rows = Ns.shape
    n_bins = ns_rows * ns_bands * (ns_bands - 1) // 2 + ns_bands * (ns_rows - 1)
    n_bins_pad = (n_bins + 6 * L - 1) // (6 * L) * (6 * L)

    out = _mean_color_sc(color, order.astype(jnp.int32), n_bins_pad)
    return out[:, :n_bins].reshape(bsz, n_bins, 1)

# --- scband reference (transcript-rebuilt; emitter-appended) ---
"""Pipeline reference for scband-mean-color-layer-39290360824567 (READ-ONLY COPY).

The authoritative reference and input builder live on the scoring server;
editing this copy changes nothing except your own understanding.
"""

import jax, jax.numpy as jnp
import numpy as np
from itertools import combinations

N_BANDS = 2
B, T = 1024, 2048


def compute_diff_matrix(n_bands):
    # Faithful to compute_ColorMatrix: for each pair (a,b), +1 at column a, -1 at column b,
    # then transpose -> [n_bands, n_pairs]. For n_bands=2 this is [[1],[-1]].
    combs = sorted(set(combinations(range(n_bands), 2)))
    n_pairs = len(combs)
    diff = np.zeros((n_pairs, n_bands), dtype=np.float32)
    for p, (a, b) in enumerate(combs):
        diff[p, a] = 1.0
        diff[p, b] = -1.0
    return jnp.asarray(diff.T)


def setup_inputs(seed: int = 0):
    key = jax.random.key(seed)
    k1, k2 = jax.random.split(key)
    color = jax.random.normal(k1, (N_BANDS, B, T), dtype=jnp.float32)
    # arange fill: Ns[b, i] = b*B + i; sum over bands per sample = 1024 + 2i; max N = 3070
    Ns = jnp.arange(N_BANDS * B).reshape(N_BANDS, B)
    order = jnp.sort(jax.random.randint(k2, (N_BANDS, B, T), 0, 3070), axis=-1)
    return {"color": color, "Ns": Ns, "order": order}


def reference(color, Ns, order):
    n_bands = color.shape[0]
    bsz, tlen = color.shape[1], color.shape[2]
    diff_matrix = compute_diff_matrix(n_bands)

    Ns_sum = jnp.sum(Ns, axis=0)
    # Ns[b, i] = b*n_rows + i (arange fill), so max over i of sum over b is a
    # static function of Ns.shape: max_i sum_b (b*n_rows + i)
    ns_bands, ns_rows = Ns.shape
    N = ns_rows * ns_bands * (ns_bands - 1) // 2 + ns_bands * (ns_rows - 1)

    row_idx = jnp.broadcast_to(jnp.arange(bsz)[:, None], (bsz, N))

    # compute_MeanMagContainer: pad and scatter each band into global timeline positions
    scatter_list = []
    for col in range(n_bands):
        c = jnp.pad(color[col], ((0, 0), (0, N - tlen)))
        o = jnp.pad(order[col], ((0, 0), (0, N - tlen)), constant_values=999)
        sc = jnp.zeros((bsz, N), dtype=color.dtype).at[row_idx, o].add(c)
        scatter_list.append(sc)

    # carry-forward last observed value per band via cumulative-max of observed indices
    carry = []
    for col in range(n_bands):
        mask = scatter_list[col] == 0
        idx = jnp.where(~mask, jnp.arange(N)[None, :], 0)
        idx2 = jax.lax.cummax(idx, axis=1)
        carry.append(jnp.take_along_axis(scatter_list[col], idx2, axis=1))
    carry_color = jnp.stack(carry, axis=2)  # [B, N, n_bands]

    result = carry_color @ diff_matrix  # [B, N, n_pairs]
    N_max = N
    return result[:, :N_max, :]

if __name__ == "__main__":
    import jax
    _d = setup_inputs()
    print(jax.jit(kernel)(*tuple(_d.values())))

</pallas_src>

<mosaic_0001>
#map = affine_map<(d0, d1) -> (0, 0, 0)>
#map1 = affine_map<(d0, d1) -> (0, 0)>
module attributes {stable_mosaic.version = 14 : i64} {
  func.func @k(%arg0: i32, %arg1: i32, %arg2: memref<2x1024x2048xf32, #tpu.memory_space<hbm>>, %arg3: memref<2x1024x2048xi32, #tpu.memory_space<hbm>>, %arg4: memref<1024x3072xf32, #tpu.memory_space<hbm>>, %arg5: memref<2048xf32, #tpu.memory_space<vmem>>, %arg6: memref<2048xf32, #tpu.memory_space<vmem>>, %arg7: memref<2048xi32, #tpu.memory_space<vmem>>, %arg8: memref<2048xi32, #tpu.memory_space<vmem>>, %arg9: memref<2048xf32, #tpu.memory_space<vmem>>, %arg10: memref<2048xf32, #tpu.memory_space<vmem>>, %arg11: memref<2048xi32, #tpu.memory_space<vmem>>, %arg12: memref<2048xi32, #tpu.memory_space<vmem>>, %arg13: memref<3072xf32, #tpu.memory_space<vmem>>, %arg14: memref<3072xf32, #tpu.memory_space<vmem>>, %arg15: memref<3072xf32, #tpu.memory_space<vmem>>, %arg16: memref<3072xf32, #tpu.memory_space<vmem>>, %arg17: memref<!tpu.dma_semaphore, #tpu.memory_space<semaphore_mem>>, %arg18: memref<!tpu.dma_semaphore, #tpu.memory_space<semaphore_mem>>) attributes {dimension_semantics = [#tpu.dimension_semantics<core_parallel>, #tpu.dimension_semantics<subcore_parallel>], iteration_bounds = array<i64: 2, 16>, scalar_prefetch = 0 : i64, scratch_operands = 14 : i64, tpu.core_type = #tpu.core_type<sc_vector_subcore>, window_params = [{transform_indices = #map}, {transform_indices = #map}, {transform_indices = #map1}]} {
    %mul3A = arith.constant 2 : i32
    %mul3A_0 = arith.muli %arg1, %mul3A : i32
    %add3A = arith.addi %mul3A_0, %arg0 : i32
    %mul3A_1 = arith.constant 32 : i32
    %mul3A_2 = arith.muli %add3A, %mul3A_1 : i32
    %iota3A = tpu.iota {dimensions = array<i32: 0>} : vector<16xi32>
    %broadcast_in_dim3A = arith.constant 0.000000e+00 : f32
    %broadcast_in_dim3A_3 = vector.broadcast %broadcast_in_dim3A : f32 to vector<16xf32>
    %broadcast_in_dim3A_4 = arith.constant 15 : i32
    %broadcast_in_dim3A_5 = vector.broadcast %broadcast_in_dim3A_4 : i32 to vector<16xi32>
    %parallel_loop3A = arith.constant 0 : i32
    %parallel_loop3A_6 = arith.constant 3072 : i32
    %parallel_loop3A_7 = arith.constant 16 : i32
    scf.for %parallel_loop3A_57 = %parallel_loop3A to %parallel_loop3A_6 step %parallel_loop3A_7  : i32 {
      %parallel_loop3A_58 = arith.index_cast %parallel_loop3A_57 : i32 to index
      %parallel_loop3A_59 = tpu.vector_load %arg13[%parallel_loop3A_58] {strides = array<i32>} : memref<3072xf32, #tpu.memory_space<vmem>>, vector<16xf32>,
      tpu.vector_store %arg13[%parallel_loop3A_58], %broadcast_in_dim3A_3 {strides = array<i32>} : memref<3072xf32, #tpu.memory_space<vmem>>, vector<16xf32>,
      %parallel_loop3A_60 = arith.index_cast %parallel_loop3A_57 : i32 to index
      %parallel_loop3A_61 = tpu.vector_load %arg14[%parallel_loop3A_60] {strides = array<i32>} : memref<3072xf32, #tpu.memory_space<vmem>>, vector<16xf32>,
      tpu.vector_store %arg14[%parallel_loop3A_60], %broadcast_in_dim3A_3 {strides = array<i32>} : memref<3072xf32, #tpu.memory_space<vmem>>, vector<16xf32>,
    } {sc.loop_unroll_factor = 4 : i64, sc.parallel_access}
    %dma_start3A = arith.constant 0 : i32
    %dma_start3A_8 = arith.constant 0 : i32
    %dma_start3A_9 = tpu.memref_slice %arg2[%dma_start3A, %mul3A_2, %dma_start3A_8] : memref<2x1024x2048xf32, #tpu.memory_space<hbm>> -> memref<1x1x2048xf32, #tpu.memory_space<hbm>>
    %dma_start3A_10 = tpu.memref_squeeze %dma_start3A_9 : memref<1x1x2048xf32, #tpu.memory_space<hbm>> -> memref<2048xf32, #tpu.memory_space<hbm>>
    %dma_start3A_11 = arith.constant 0 : i32
    %dma_start3A_12 = tpu.memref_slice %arg2[%dma_start3A, %mul3A_2, %dma_start3A_11] : memref<2x1024x2048xf32, #tpu.memory_space<hbm>> -> memref<1x1x2048xf32, #tpu.memory_space<hbm>>
    %dma_start3A_13 = tpu.memref_squeeze %dma_start3A_12 : memref<1x1x2048xf32, #tpu.memory_space<hbm>> -> memref<2048xf32, #tpu.memory_space<hbm>>
    tpu.enqueue_dma source(%dma_start3A_13 : memref<2048xf32, #tpu.memory_space<hbm>>) target(%arg5 : memref<2048xf32, #tpu.memory_space<vmem>>) target_semaphore(%arg17 : memref<!tpu.dma_semaphore, #tpu.memory_space<semaphore_mem>>)
    %dma_start3A_14 = arith.constant 1 : i32
    %dma_start3A_15 = arith.constant 0 : i32
    %dma_start3A_16 = tpu.memref_slice %arg2[%dma_start3A_14, %mul3A_2, %dma_start3A_15] : memref<2x1024x2048xf32, #tpu.memory_space<hbm>> -> memref<1x1x2048xf32, #tpu.memory_space<hbm>>
    %dma_start3A_17 = tpu.memref_squeeze %dma_start3A_16 : memref<1x1x2048xf32, #tpu.memory_space<hbm>> -> memref<2048xf32, #tpu.memory_space<hbm>>
    %dma_start3A_18 = arith.constant 0 : i32
    %dma_start3A_19 = tpu.memref_slice %arg2[%dma_start3A_14, %mul3A_2, %dma_start3A_18] : memref<2x1024x2048xf32, #tpu.memory_space<hbm>> -> memref<1x1x2048xf32, #tpu.memory_space<hbm>>
    %dma_start3A_20 = tpu.memref_squeeze %dma_start3A_19 : memref<1x1x2048xf32, #tpu.memory_space<hbm>> -> memref<2048xf32, #tpu.memory_space<hbm>>
    tpu.enqueue_dma source(%dma_start3A_20 : memref<2048xf32, #tpu.memory_space<hbm>>) target(%arg6 : memref<2048xf32, #tpu.memory_space<vmem>>) target_semaphore(%arg17 : memref<!tpu.dma_semaphore, #tpu.memory_space<semaphore_mem>>)
    %dma_start3A_21 = arith.constant 0 : i32
    %dma_start3A_22 = arith.constant 0 : i32
    %dma_start3A_23 = tpu.memref_slice %arg3[%dma_start3A_21, %mul3A_2, %dma_start3A_22] : memref<2x1024x2048xi32, #tpu.memory_space<hbm>> -> memref<1x1x2048xi32, #tpu.memory_space<hbm>>
    %dma_start3A_24 = tpu.memref_squeeze %dma_start3A_23 : memref<1x1x2048xi32, #tpu.memory_space<hbm>> -> memref<2048xi32, #tpu.memory_space<hbm>>
    %dma_start3A_25 = arith.constant 0 : i32
    %dma_start3A_26 = tpu.memref_slice %arg3[%dma_start3A_21, %mul3A_2, %dma_start3A_25] : memref<2x1024x2048xi32, #tpu.memory_space<hbm>> -> memref<1x1x2048xi32, #tpu.memory_space<hbm>>
    %dma_start3A_27 = tpu.memref_squeeze %dma_start3A_26 : memref<1x1x2048xi32, #tpu.memory_space<hbm>> -> memref<2048xi32, #tpu.memory_space<hbm>>
    tpu.enqueue_dma source(%dma_start3A_27 : memref<2048xi32, #tpu.memory_space<hbm>>) target(%arg7 : memref<2048xi32, #tpu.memory_space<vmem>>) target_semaphore(%arg17 : memref<!tpu.dma_semaphore, #tpu.memory_space<semaphore_mem>>)
    %dma_start3A_28 = arith.constant 1 : i32
    %dma_start3A_29 = arith.constant 0 : i32
    %dma_start3A_30 = tpu.memref_slice %arg3[%dma_start3A_28, %mul3A_2, %dma_start3A_29] : memref<2x1024x2048xi32, #tpu.memory_space<hbm>> -> memref<1x1x2048xi32, #tpu.memory_space<hbm>>
    %dma_start3A_31 = tpu.memref_squeeze %dma_start3A_30 : memref<1x1x2048xi32, #tpu.memory_space<hbm>> -> memref<2048xi32, #tpu.memory_space<hbm>>
    %dma_start3A_32 = arith.constant 0 : i32
    %dma_start3A_33 = tpu.memref_slice %arg3[%dma_start3A_28, %mul3A_2, %dma_start3A_32] : memref<2x1024x2048xi32, #tpu.memory_space<hbm>> -> memref<1x1x2048xi32, #tpu.memory_space<hbm>>
    %dma_start3A_34 = tpu.memref_squeeze %dma_start3A_33 : memref<1x1x2048xi32, #tpu.memory_space<hbm>> -> memref<2048xi32, #tpu.memory_space<hbm>>
    tpu.enqueue_dma source(%dma_start3A_34 : memref<2048xi32, #tpu.memory_space<hbm>>) target(%arg8 : memref<2048xi32, #tpu.memory_space<vmem>>) target_semaphore(%arg17 : memref<!tpu.dma_semaphore, #tpu.memory_space<semaphore_mem>>)
    %scan3A = arith.constant 0 : i32
    %scan3A_35 = arith.constant 0 : i32
    %scan3A_36 = arith.constant 16 : i32
    %scan3A_37 = arith.addi %scan3A_35, %scan3A_36 : i32
    %scan3A_38 = arith.constant 1 : i32
    %scan3A_39 = scf.for %scan3A_57 = %scan3A_35 to %scan3A_37 step %scan3A_38 iter_args(%scan3A_58 = %scan3A) -> (i32)  : i32 {
      %mul3A_59 = arith.constant 2 : i32
      %mul3A_60 = arith.muli %mul3A_59, %scan3A_57 : i32
      %add3A_61 = arith.addi %mul3A_2, %mul3A_60 : i32
      %add3A_62 = arith.constant 1 : i32
      %add3A_63 = arith.addi %add3A_61, %add3A_62 : i32
      %dma_wait3A_64 = arith.constant 0 : i32
      %dma_wait3A_65 = arith.constant 0 : i32
      %dma_wait3A_66 = tpu.memref_slice %arg2[%dma_wait3A_64, %add3A_61, %dma_wait3A_65] : memref<2x1024x2048xf32, #tpu.memory_space<hbm>> -> memref<1x1x2048xf32, #tpu.memory_space<hbm>>
      %dma_wait3A_67 = tpu.memref_squeeze %dma_wait3A_66 : memref<1x1x2048xf32, #tpu.memory_space<hbm>> -> memref<2048xf32, #tpu.memory_space<hbm>>
      %dma_wait3A_68 = arith.constant 0 : i32
      %dma_wait3A_69 = tpu.memref_slice %arg2[%dma_wait3A_64, %add3A_61, %dma_wait3A_68] : memref<2x1024x2048xf32, #tpu.memory_space<hbm>> -> memref<1x1x2048xf32, #tpu.memory_space<hbm>>
      %dma_wait3A_70 = tpu.memref_squeeze %dma_wait3A_69 : memref<1x1x2048xf32, #tpu.memory_space<hbm>> -> memref<2048xf32, #tpu.memory_space<hbm>>
      tpu.wait_dma2 semaphore(%arg17 : memref<!tpu.dma_semaphore, #tpu.memory_space<semaphore_mem>>) src(%dma_wait3A_70 : memref<2048xf32, #tpu.memory_space<hbm>>) dst(%arg5 : memref<2048xf32, #tpu.memory_space<vmem>>)
      %dma_wait3A_71 = arith.constant 1 : i32
      %dma_wait3A_72 = arith.constant 0 : i32
      %dma_wait3A_73 = tpu.memref_slice %arg2[%dma_wait3A_71, %add3A_61, %dma_wait3A_72] : memref<2x1024x2048xf32, #tpu.memory_space<hbm>> -> memref<1x1x2048xf32, #tpu.memory_space<hbm>>
      %dma_wait3A_74 = tpu.memref_squeeze %dma_wait3A_73 : memref<1x1x2048xf32, #tpu.memory_space<hbm>> -> memref<2048xf32, #tpu.memory_space<hbm>>
      %dma_wait3A_75 = arith.constant 0 : i32
      %dma_wait3A_76 = tpu.memref_slice %arg2[%dma_wait3A_71, %add3A_61, %dma_wait3A_75] : memref<2x1024x2048xf32, #tpu.memory_space<hbm>> -> memref<1x1x2048xf32, #tpu.memory_space<hbm>>
      %dma_wait3A_77 = tpu.memref_squeeze %dma_wait3A_76 : memref<1x1x2048xf32, #tpu.memory_space<hbm>> -> memref<2048xf32, #tpu.memory_space<hbm>>
      tpu.wait_dma2 semaphore(%arg17 : memref<!tpu.dma_semaphore, #tpu.memory_space<semaphore_mem>>) src(%dma_wait3A_77 : memref<2048xf32, #tpu.memory_space<hbm>>) dst(%arg6 : memref<2048xf32, #tpu.memory_space<vmem>>)
      %dma_wait3A_78 = arith.constant 0 : i32
      %dma_wait3A_79 = arith.constant 0 : i32
      %dma_wait3A_80 = tpu.memref_slice %arg3[%dma_wait3A_78, %add3A_61, %dma_wait3A_79] : memref<2x1024x2048xi32, #tpu.memory_space<hbm>> -> memref<1x1x2048xi32, #tpu.memory_space<hbm>>
      %dma_wait3A_81 = tpu.memref_squeeze %dma_wait3A_80 : memref<1x1x2048xi32, #tpu.memory_space<hbm>> -> memref<2048xi32, #tpu.memory_space<hbm>>
      %dma_wait3A_82 = arith.constant 0 : i32
      %dma_wait3A_83 = tpu.memref_slice %arg3[%dma_wait3A_78, %add3A_61, %dma_wait3A_82] : memref<2x1024x2048xi32, #tpu.memory_space<hbm>> -> memref<1x1x2048xi32, #tpu.memory_space<hbm>>
      %dma_wait3A_84 = tpu.memref_squeeze %dma_wait3A_83 : memref<1x1x2048xi32, #tpu.memory_space<hbm>> -> memref<2048xi32, #tpu.memory_space<hbm>>
      tpu.wait_dma2 semaphore(%arg17 : memref<!tpu.dma_semaphore, #tpu.memory_space<semaphore_mem>>) src(%dma_wait3A_84 : memref<2048xi32, #tpu.memory_space<hbm>>) dst(%arg7 : memref<2048xi32, #tpu.memory_space<vmem>>)
      %dma_wait3A_85 = arith.constant 1 : i32
      %dma_wait3A_86 = arith.constant 0 : i32
      %dma_wait3A_87 = tpu.memref_slice %arg3[%dma_wait3A_85, %add3A_61, %dma_wait3A_86] : memref<2x1024x2048xi32, #tpu.memory_space<hbm>> -> memref<1x1x2048xi32, #tpu.memory_space<hbm>>
      %dma_wait3A_88 = tpu.memref_squeeze %dma_wait3A_87 : memref<1x1x2048xi32, #tpu.memory_space<hbm>> -> memref<2048xi32, #tpu.memory_space<hbm>>
      %dma_wait3A_89 = arith.constant 0 : i32
      %dma_wait3A_90 = tpu.memref_slice %arg3[%dma_wait3A_85, %add3A_61, %dma_wait3A_89] : memref<2x1024x2048xi32, #tpu.memory_space<hbm>> -> memref<1x1x2048xi32, #tpu.memory_space<hbm>>
      %dma_wait3A_91 = tpu.memref_squeeze %dma_wait3A_90 : memref<1x1x2048xi32, #tpu.memory_space<hbm>> -> memref<2048xi32, #tpu.memory_space<hbm>>
      tpu.wait_dma2 semaphore(%arg17 : memref<!tpu.dma_semaphore, #tpu.memory_space<semaphore_mem>>) src(%dma_wait3A_91 : memref<2048xi32, #tpu.memory_space<hbm>>) dst(%arg8 : memref<2048xi32, #tpu.memory_space<vmem>>)
      %dma_start3A_92 = arith.constant 0 : i32
      %dma_start3A_93 = arith.constant 0 : i32
      %dma_start3A_94 = tpu.memref_slice %arg2[%dma_start3A_92, %add3A_63, %dma_start3A_93] : memref<2x1024x2048xf32, #tpu.memory_space<hbm>> -> memref<1x1x2048xf32, #tpu.memory_space<hbm>>
      %dma_start3A_95 = tpu.memref_squeeze %dma_start3A_94 : memref<1x1x2048xf32, #tpu.memory_space<hbm>> -> memref<2048xf32, #tpu.memory_space<hbm>>
      %dma_start3A_96 = arith.constant 0 : i32
      %dma_start3A_97 = tpu.memref_slice %arg2[%dma_start3A_92, %add3A_63, %dma_start3A_96] : memref<2x1024x2048xf32, #tpu.memory_space<hbm>> -> memref<1x1x2048xf32, #tpu.memory_space<hbm>>
      %dma_start3A_98 = tpu.memref_squeeze %dma_start3A_97 : memref<1x1x2048xf32, #tpu.memory_space<hbm>> -> memref<2048xf32, #tpu.memory_space<hbm>>
      tpu.enqueue_dma source(%dma_start3A_98 : memref<2048xf32, #tpu.memory_space<hbm>>) target(%arg9 : memref<2048xf32, #tpu.memory_space<vmem>>) target_semaphore(%arg17 : memref<!tpu.dma_semaphore, #tpu.memory_space<semaphore_mem>>)
      %dma_start3A_99 = arith.constant 1 : i32
      %dma_start3A_100 = arith.constant 0 : i32
      %dma_start3A_101 = tpu.memref_slice %arg2[%dma_start3A_99, %add3A_63, %dma_start3A_100] : memref<2x1024x2048xf32, #tpu.memory_space<hbm>> -> memref<1x1x2048xf32, #tpu.memory_space<hbm>>
      %dma_start3A_102 = tpu.memref_squeeze %dma_start3A_101 : memref<1x1x2048xf32, #tpu.memory_space<hbm>> -> memref<2048xf32, #tpu.memory_space<hbm>>
      %dma_start3A_103 = arith.constant 0 : i32
      %dma_start3A_104 = tpu.memref_slice %arg2[%dma_start3A_99, %add3A_63, %dma_start3A_103] : memref<2x1024x2048xf32, #tpu.memory_space<hbm>> -> memref<1x1x2048xf32, #tpu.memory_space<hbm>>
      %dma_start3A_105 = tpu.memref_squeeze %dma_start3A_104 : memref<1x1x2048xf32, #tpu.memory_space<hbm>> -> memref<2048xf32, #tpu.memory_space<hbm>>
      tpu.enqueue_dma source(%dma_start3A_105 : memref<2048xf32, #tpu.memory_space<hbm>>) target(%arg10 : memref<2048xf32, #tpu.memory_space<vmem>>) target_semaphore(%arg17 : memref<!tpu.dma_semaphore, #tpu.memory_space<semaphore_mem>>)
      %dma_start3A_106 = arith.constant 0 : i32
      %dma_start3A_107 = arith.constant 0 : i32
      %dma_start3A_108 = tpu.memref_slice %arg3[%dma_start3A_106, %add3A_63, %dma_start3A_107] : memref<2x1024x2048xi32, #tpu.memory_space<hbm>> -> memref<1x1x2048xi32, #tpu.memory_space<hbm>>
      %dma_start3A_109 = tpu.memref_squeeze %dma_start3A_108 : memref<1x1x2048xi32, #tpu.memory_space<hbm>> -> memref<2048xi32, #tpu.memory_space<hbm>>
      %dma_start3A_110 = arith.constant 0 : i32
      %dma_start3A_111 = tpu.memref_slice %arg3[%dma_start3A_106, %add3A_63, %dma_start3A_110] : memref<2x1024x2048xi32, #tpu.memory_space<hbm>> -> memref<1x1x2048xi32, #tpu.memory_space<hbm>>
      %dma_start3A_112 = tpu.memref_squeeze %dma_start3A_111 : memref<1x1x2048xi32, #tpu.memory_space<hbm>> -> memref<2048xi32, #tpu.memory_space<hbm>>
      tpu.enqueue_dma source(%dma_start3A_112 : memref<2048xi32, #tpu.memory_space<hbm>>) target(%arg11 : memref<2048xi32, #tpu.memory_space<vmem>>) target_semaphore(%arg17 : memref<!tpu.dma_semaphore, #tpu.memory_space<semaphore_mem>>)
      %dma_start3A_113 = arith.constant 1 : i32
      %dma_start3A_114 = arith.constant 0 : i32
      %dma_start3A_115 = tpu.memref_slice %arg3[%dma_start3A_113, %add3A_63, %dma_start3A_114] : memref<2x1024x2048xi32, #tpu.memory_space<hbm>> -> memref<1x1x2048xi32, #tpu.memory_space<hbm>>
      %dma_start3A_116 = tpu.memref_squeeze %dma_start3A_115 : memref<1x1x2048xi32, #tpu.memory_space<hbm>> -> memref<2048xi32, #tpu.memory_space<hbm>>
      %dma_start3A_117 = arith.constant 0 : i32
      %dma_start3A_118 = tpu.memref_slice %arg3[%dma_start3A_113, %add3A_63, %dma_start3A_117] : memref<2x1024x2048xi32, #tpu.memory_space<hbm>> -> memref<1x1x2048xi32, #tpu.memory_space<hbm>>
      %dma_start3A_119 = tpu.memref_squeeze %dma_start3A_118 : memref<1x1x2048xi32, #tpu.memory_space<hbm>> -> memref<2048xi32, #tpu.memory_space<hbm>>
      tpu.enqueue_dma source(%dma_start3A_119 : memref<2048xi32, #tpu.memory_space<hbm>>) target(%arg12 : memref<2048xi32, #tpu.memory_space<vmem>>) target_semaphore(%arg17 : memref<!tpu.dma_semaphore, #tpu.memory_space<semaphore_mem>>)
      %gt3A = arith.constant 0 : i32
      %gt3A_120 = arith.cmpi sgt, %scan3A_57, %gt3A : i32
      %convert_element_type3A = arith.extui %gt3A_120 : i1 to i32
      %cond3A = arith.constant 0 : i32
      %cond3A_121 = arith.cmpi ne, %convert_element_type3A, %cond3A : i32
      scf.if %cond3A_121 {
        %sub3A_188 = arith.constant 2 : i32
        %sub3A_189 = arith.subi %add3A_61, %sub3A_188 : i32
        %dma_wait3A_190 = arith.constant 0 : i32
        %dma_wait3A_191 = tpu.memref_slice %arg4[%sub3A_189, %dma_wait3A_190] : memref<1024x3072xf32, #tpu.memory_space<hbm>> -> memref<1x3072xf32, #tpu.memory_space<hbm>>
        %dma_wait3A_192 = tpu.memref_squeeze %dma_wait3A_191 : memref<1x3072xf32, #tpu.memory_space<hbm>> -> memref<3072xf32, #tpu.memory_space<hbm>>
        %dma_wait3A_193 = arith.constant 0 : i32
        %dma_wait3A_194 = tpu.memref_slice %arg4[%sub3A_189, %dma_wait3A_193] : memref<1024x3072xf32, #tpu.memory_space<hbm>> -> memref<1x3072xf32, #tpu.memory_space<hbm>>
        %dma_wait3A_195 = tpu.memref_squeeze %dma_wait3A_194 : memref<1x3072xf32, #tpu.memory_space<hbm>> -> memref<3072xf32, #tpu.memory_space<hbm>>
        tpu.wait_dma2 semaphore(%arg18 : memref<!tpu.dma_semaphore, #tpu.memory_space<semaphore_mem>>) src(%arg15 : memref<3072xf32, #tpu.memory_space<vmem>>) dst(%dma_wait3A_195 : memref<3072xf32, #tpu.memory_space<hbm>>)
      } else {
      }
      %parallel_loop3A_122 = arith.constant 0 : i32
      %parallel_loop3A_123 = arith.constant 2048 : i32
      %parallel_loop3A_124 = arith.constant 16 : i32
      scf.for %parallel_loop3A_188 = %parallel_loop3A_122 to %parallel_loop3A_123 step %parallel_loop3A_124  : i32 {
        %parallel_loop3A_189 = arith.index_cast %parallel_loop3A_188 : i32 to index
        %parallel_loop3A_190 = tpu.vector_load %arg7[%parallel_loop3A_189] {strides = array<i32>} : memref<2048xi32, #tpu.memory_space<vmem>>, vector<16xi32>,
        %parallel_loop3A_191 = arith.index_cast %parallel_loop3A_188 : i32 to index
        %parallel_loop3A_192 = tpu.vector_load %arg5[%parallel_loop3A_191] {strides = array<i32>} : memref<2048xf32, #tpu.memory_space<vmem>>, vector<16xf32>,
        tpu.vector_store_idx %arg13[%parallel_loop3A_190], %parallel_loop3A_192 {add = true} : memref<3072xf32, #tpu.memory_space<vmem>>[vector<16xi32>], vector<16xf32>,
        %parallel_loop3A_193 = arith.index_cast %parallel_loop3A_188 : i32 to index
        %parallel_loop3A_194 = tpu.vector_load %arg8[%parallel_loop3A_193] {strides = array<i32>} : memref<2048xi32, #tpu.memory_space<vmem>>, vector<16xi32>,
        %parallel_loop3A_195 = arith.index_cast %parallel_loop3A_188 : i32 to index
        %parallel_loop3A_196 = tpu.vector_load %arg6[%parallel_loop3A_195] {strides = array<i32>} : memref<2048xf32, #tpu.memory_space<vmem>>, vector<16xf32>,
        tpu.vector_store_idx %arg14[%parallel_loop3A_194], %parallel_loop3A_196 {add = true} : memref<3072xf32, #tpu.memory_space<vmem>>[vector<16xi32>], vector<16xf32>,
      } {sc.loop_unroll_factor = 8 : i64, sc.parallel_access}
      %parallel_loop3A_125 = arith.constant 0 : i32
      %parallel_loop3A_126 = arith.constant 3072 : i32
      %parallel_loop3A_127 = arith.constant 16 : i32
      %parallel_loop3A_128:2 = scf.for %parallel_loop3A_188 = %parallel_loop3A_125 to %parallel_loop3A_126 step %parallel_loop3A_127 iter_args(%parallel_loop3A_189 = %broadcast_in_dim3A_3, %parallel_loop3A_190 = %broadcast_in_dim3A_3) -> (vector<16xf32>, vector<16xf32>)  : i32 {
        %parallel_loop3A_191 = arith.index_cast %parallel_loop3A_188 : i32 to index
        %parallel_loop3A_192 = tpu.vector_load %arg13[%parallel_loop3A_191] {strides = array<i32>} : memref<3072xf32, #tpu.memory_space<vmem>>, vector<16xf32>,
        %parallel_loop3A_193 = arith.index_cast %parallel_loop3A_188 : i32 to index
        %parallel_loop3A_194 = tpu.vector_load %arg14[%parallel_loop3A_193] {strides = array<i32>} : memref<3072xf32, #tpu.memory_space<vmem>>, vector<16xf32>,
        %parallel_loop3A_195 = arith.constant 0.000000e+00 : f32
        %parallel_loop3A_196 = vector.broadcast %parallel_loop3A_195 : f32 to vector<16xf32>
        %parallel_loop3A_197 = arith.cmpf one, %parallel_loop3A_192, %parallel_loop3A_196 : vector<16xf32>
        %parallel_loop3A_198 = arith.constant -2147483648 : i32
        %parallel_loop3A_199 = vector.broadcast %parallel_loop3A_198 : i32 to vector<16xi32>
        %parallel_loop3A_200 = arith.xori %iota3A, %parallel_loop3A_199 : vector<16xi32>
        %parallel_loop3A_201 = tpu.scan <max>, %parallel_loop3A_200 masked %parallel_loop3A_197 : vector<16xi32>, vector<16xi1> -> vector<16xi32>
        %parallel_loop3A_202 = arith.xori %parallel_loop3A_201, %parallel_loop3A_199 : vector<16xi32>
        %parallel_loop3A_203 = vector.shape_cast %parallel_loop3A_202 : vector<16xi32> to vector<16x1xi32>
        %parallel_loop3A_204 = vector.shape_cast %parallel_loop3A_203 : vector<16x1xi32> to vector<16xi32>
        %parallel_loop3A_205 = tpu.dynamic_gather %parallel_loop3A_192[%parallel_loop3A_204] in [0] : vector<16xf32>, vector<16xi32> -> vector<16xf32>
        %parallel_loop3A_206 = arith.constant 0.000000e+00 : f32
        %parallel_loop3A_207 = vector.broadcast %parallel_loop3A_206 : f32 to vector<16xf32>
        %parallel_loop3A_208 = arith.cmpf one, %parallel_loop3A_194, %parallel_loop3A_207 : vector<16xf32>
        %parallel_loop3A_209 = arith.constant -2147483648 : i32
        %parallel_loop3A_210 = vector.broadcast %parallel_loop3A_209 : i32 to vector<16xi32>
        %parallel_loop3A_211 = arith.xori %iota3A, %parallel_loop3A_210 : vector<16xi32>
        %parallel_loop3A_212 = tpu.scan <max>, %parallel_loop3A_211 masked %parallel_loop3A_208 : vector<16xi32>, vector<16xi1> -> vector<16xi32>
        %parallel_loop3A_213 = arith.xori %parallel_loop3A_212, %parallel_loop3A_210 : vector<16xi32>
        %parallel_loop3A_214 = vector.shape_cast %parallel_loop3A_213 : vector<16xi32> to vector<16x1xi32>
        %parallel_loop3A_215 = vector.shape_cast %parallel_loop3A_214 : vector<16x1xi32> to vector<16xi32>
        %parallel_loop3A_216 = tpu.dynamic_gather %parallel_loop3A_194[%parallel_loop3A_215] in [0] : vector<16xf32>, vector<16xi32> -> vector<16xf32>
        %parallel_loop3A_217 = arith.constant 0.000000e+00 : f32
        %parallel_loop3A_218 = vector.broadcast %parallel_loop3A_217 : f32 to vector<16xf32>
        %parallel_loop3A_219 = arith.cmpf one, %parallel_loop3A_205, %parallel_loop3A_218 : vector<16xf32>
        %parallel_loop3A_220 = arith.select %parallel_loop3A_219, %parallel_loop3A_205, %parallel_loop3A_189 : vector<16xi1>, vector<16xf32>
        %parallel_loop3A_221 = arith.constant 0.000000e+00 : f32
        %parallel_loop3A_222 = vector.broadcast %parallel_loop3A_221 : f32 to vector<16xf32>
        %parallel_loop3A_223 = arith.cmpf one, %parallel_loop3A_216, %parallel_loop3A_222 : vector<16xf32>
        %parallel_loop3A_224 = arith.select %parallel_loop3A_223, %parallel_loop3A_216, %parallel_loop3A_190 : vector<16xi1>, vector<16xf32>
        %parallel_loop3A_225 = arith.index_cast %parallel_loop3A_188 : i32 to index
        %parallel_loop3A_226 = tpu.vector_load %arg13[%parallel_loop3A_225] {strides = array<i32>} : memref<3072xf32, #tpu.memory_space<vmem>>, vector<16xf32>,
        tpu.vector_store %arg13[%parallel_loop3A_225], %broadcast_in_dim3A_3 {strides = array<i32>} : memref<3072xf32, #tpu.memory_space<vmem>>, vector<16xf32>,
        %parallel_loop3A_227 = arith.index_cast %parallel_loop3A_188 : i32 to index
        %parallel_loop3A_228 = tpu.vector_load %arg14[%parallel_loop3A_227] {strides = array<i32>} : memref<3072xf32, #tpu.memory_space<vmem>>, vector<16xf32>,
        tpu.vector_store %arg14[%parallel_loop3A_227], %broadcast_in_dim3A_3 {strides = array<i32>} : memref<3072xf32, #tpu.memory_space<vmem>>, vector<16xf32>,
        %parallel_loop3A_229 = arith.subf %parallel_loop3A_220, %parallel_loop3A_224 : vector<16xf32>
        %parallel_loop3A_230 = arith.index_cast %parallel_loop3A_188 : i32 to index
        %parallel_loop3A_231 = tpu.vector_load %arg15[%parallel_loop3A_230] {strides = array<i32>} : memref<3072xf32, #tpu.memory_space<vmem>>, vector<16xf32>,
        tpu.vector_store %arg15[%parallel_loop3A_230], %parallel_loop3A_229 {strides = array<i32>} : memref<3072xf32, #tpu.memory_space<vmem>>, vector<16xf32>,
        %parallel_loop3A_232 = vector.shape_cast %broadcast_in_dim3A_5 : vector<16xi32> to vector<16x1xi32>
        %parallel_loop3A_233 = vector.shape_cast %parallel_loop3A_232 : vector<16x1xi32> to vector<16xi32>
        %parallel_loop3A_234 = tpu.dynamic_gather %parallel_loop3A_220[%parallel_loop3A_233] in [0] : vector<16xf32>, vector<16xi32> -> vector<16xf32>
        %parallel_loop3A_235 = vector.shape_cast %broadcast_in_dim3A_5 : vector<16xi32> to vector<16x1xi32>
        %parallel_loop3A_236 = vector.shape_cast %parallel_loop3A_235 : vector<16x1xi32> to vector<16xi32>
        %parallel_loop3A_237 = tpu.dynamic_gather %parallel_loop3A_224[%parallel_loop3A_236] in [0] : vector<16xf32>, vector<16xi32> -> vector<16xf32>
        scf.yield %parallel_loop3A_234, %parallel_loop3A_237 : vector<16xf32>, vector<16xf32>
      } {sc.loop_unroll_factor = 8 : i64, sc.parallel_access}
      %dma_start3A_129 = arith.constant 0 : i32
      %dma_start3A_130 = tpu.memref_slice %arg4[%add3A_61, %dma_start3A_129] : memref<1024x3072xf32, #tpu.memory_space<hbm>> -> memref<1x3072xf32, #tpu.memory_space<hbm>>
      %dma_start3A_131 = tpu.memref_squeeze %dma_start3A_130 : memref<1x3072xf32, #tpu.memory_space<hbm>> -> memref<3072xf32, #tpu.memory_space<hbm>>
      %dma_start3A_132 = arith.constant 0 : i32
      %dma_start3A_133 = tpu.memref_slice %arg4[%add3A_61, %dma_start3A_132] : memref<1024x3072xf32, #tpu.memory_space<hbm>> -> memref<1x3072xf32, #tpu.memory_space<hbm>>
      %dma_start3A_134 = tpu.memref_squeeze %dma_start3A_133 : memref<1x3072xf32, #tpu.memory_space<hbm>> -> memref<3072xf32, #tpu.memory_space<hbm>>
      tpu.enqueue_dma source(%arg15 : memref<3072xf32, #tpu.memory_space<vmem>>) target(%dma_start3A_134 : memref<3072xf32, #tpu.memory_space<hbm>>) target_semaphore(%arg18 : memref<!tpu.dma_semaphore, #tpu.memory_space<semaphore_mem>>)
      %dma_wait3A_135 = arith.constant 0 : i32
      %dma_wait3A_136 = arith.constant 0 : i32
      %dma_wait3A_137 = tpu.memref_slice %arg2[%dma_wait3A_135, %add3A_63, %dma_wait3A_136] : memref<2x1024x2048xf32, #tpu.memory_space<hbm>> -> memref<1x1x2048xf32, #tpu.memory_space<hbm>>
      %dma_wait3A_138 = tpu.memref_squeeze %dma_wait3A_137 : memref<1x1x2048xf32, #tpu.memory_space<hbm>> -> memref<2048xf32, #tpu.memory_space<hbm>>
      %dma_wait3A_139 = arith.constant 0 : i32
      %dma_wait3A_140 = tpu.memref_slice %arg2[%dma_wait3A_135, %add3A_63, %dma_wait3A_139] : memref<2x1024x2048xf32, #tpu.memory_space<hbm>> -> memref<1x1x2048xf32, #tpu.memory_space<hbm>>
      %dma_wait3A_141 = tpu.memref_squeeze %dma_wait3A_140 : memref<1x1x2048xf32, #tpu.memory_space<hbm>> -> memref<2048xf32, #tpu.memory_space<hbm>>
      tpu.wait_dma2 semaphore(%arg17 : memref<!tpu.dma_semaphore, #tpu.memory_space<semaphore_mem>>) src(%dma_wait3A_141 : memref<2048xf32, #tpu.memory_space<hbm>>) dst(%arg9 : memref<2048xf32, #tpu.memory_space<vmem>>)
      %dma_wait3A_142 = arith.constant 1 : i32
      %dma_wait3A_143 = arith.constant 0 : i32
      %dma_wait3A_144 = tpu.memref_slice %arg2[%dma_wait3A_142, %add3A_63, %dma_wait3A_143] : memref<2x1024x2048xf32, #tpu.memory_space<hbm>> -> memref<1x1x2048xf32, #tpu.memory_space<hbm>>
      %dma_wait3A_145 = tpu.memref_squeeze %dma_wait3A_144 : memref<1x1x2048xf32, #tpu.memory_space<hbm>> -> memref<2048xf32, #tpu.memory_space<hbm>>
      %dma_wait3A_146 = arith.constant 0 : i32
      %dma_wait3A_147 = tpu.memref_slice %arg2[%dma_wait3A_142, %add3A_63, %dma_wait3A_146] : memref<2x1024x2048xf32, #tpu.memory_space<hbm>> -> memref<1x1x2048xf32, #tpu.memory_space<hbm>>
      %dma_wait3A_148 = tpu.memref_squeeze %dma_wait3A_147 : memref<1x1x2048xf32, #tpu.memory_space<hbm>> -> memref<2048xf32, #tpu.memory_space<hbm>>
      tpu.wait_dma2 semaphore(%arg17 : memref<!tpu.dma_semaphore, #tpu.memory_space<semaphore_mem>>) src(%dma_wait3A_148 : memref<2048xf32, #tpu.memory_space<hbm>>) dst(%arg10 : memref<2048xf32, #tpu.memory_space<vmem>>)
      %dma_wait3A_149 = arith.constant 0 : i32
      %dma_wait3A_150 = arith.constant 0 : i32
      %dma_wait3A_151 = tpu.memref_slice %arg3[%dma_wait3A_149, %add3A_63, %dma_wait3A_150] : memref<2x1024x2048xi32, #tpu.memory_space<hbm>> -> memref<1x1x2048xi32, #tpu.memory_space<hbm>>
      %dma_wait3A_152 = tpu.memref_squeeze %dma_wait3A_151 : memref<1x1x2048xi32, #tpu.memory_space<hbm>> -> memref<2048xi32, #tpu.memory_space<hbm>>
      %dma_wait3A_153 = arith.constant 0 : i32
      %dma_wait3A_154 = tpu.memref_slice %arg3[%dma_wait3A_149, %add3A_63, %dma_wait3A_153] : memref<2x1024x2048xi32, #tpu.memory_space<hbm>> -> memref<1x1x2048xi32, #tpu.memory_space<hbm>>
      %dma_wait3A_155 = tpu.memref_squeeze %dma_wait3A_154 : memref<1x1x2048xi32, #tpu.memory_space<hbm>> -> memref<2048xi32, #tpu.memory_space<hbm>>
      tpu.wait_dma2 semaphore(%arg17 : memref<!tpu.dma_semaphore, #tpu.memory_space<semaphore_mem>>) src(%dma_wait3A_155 : memref<2048xi32, #tpu.memory_space<hbm>>) dst(%arg11 : memref<2048xi32, #tpu.memory_space<vmem>>)
      %dma_wait3A_156 = arith.constant 1 : i32
      %dma_wait3A_157 = arith.constant 0 : i32
      %dma_wait3A_158 = tpu.memref_slice %arg3[%dma_wait3A_156, %add3A_63, %dma_wait3A_157] : memref<2x1024x2048xi32, #tpu.memory_space<hbm>> -> memref<1x1x2048xi32, #tpu.memory_space<hbm>>
      %dma_wait3A_159 = tpu.memref_squeeze %dma_wait3A_158 : memref<1x1x2048xi32, #tpu.memory_space<hbm>> -> memref<2048xi32, #tpu.memory_space<hbm>>
      %dma_wait3A_160 = arith.constant 0 : i32
      %dma_wait3A_161 = tpu.memref_slice %arg3[%dma_wait3A_156, %add3A_63, %dma_wait3A_160] : memref<2x1024x2048xi32, #tpu.memory_space<hbm>> -> memref<1x1x2048xi32, #tpu.memory_space<hbm>>
      %dma_wait3A_162 = tpu.memref_squeeze %dma_wait3A_161 : memref<1x1x2048xi32, #tpu.memory_space<hbm>> -> memref<2048xi32, #tpu.memory_space<hbm>>
      tpu.wait_dma2 semaphore(%arg17 : memref<!tpu.dma_semaphore, #tpu.memory_space<semaphore_mem>>) src(%dma_wait3A_162 : memref<2048xi32, #tpu.memory_space<hbm>>) dst(%arg12 : memref<2048xi32, #tpu.memory_space<vmem>>)
      %add3A_163 = arith.constant 1 : i32
      %add3A_164 = arith.addi %scan3A_57, %add3A_163 : i32
      %lt3A = arith.constant 16 : i32
      %lt3A_165 = arith.cmpi slt, %add3A_164, %lt3A : i32
      %convert_element_type3A_166 = arith.extui %lt3A_165 : i1 to i32
      %cond3A_167 = arith.constant 0 : i32
      %cond3A_168 = arith.cmpi ne, %convert_element_type3A_166, %cond3A_167 : i32
      scf.if %cond3A_168 {
        %add3A_188 = arith.constant 1 : i32
        %add3A_189 = arith.addi %add3A_63, %add3A_188 : i32
        %dma_start3A_190 = arith.constant 0 : i32
        %dma_start3A_191 = arith.constant 0 : i32
        %dma_start3A_192 = tpu.memref_slice %arg2[%dma_start3A_190, %add3A_189, %dma_start3A_191] : memref<2x1024x2048xf32, #tpu.memory_space<hbm>> -> memref<1x1x2048xf32, #tpu.memory_space<hbm>>
        %dma_start3A_193 = tpu.memref_squeeze %dma_start3A_192 : memref<1x1x2048xf32, #tpu.memory_space<hbm>> -> memref<2048xf32, #tpu.memory_space<hbm>>
        %dma_start3A_194 = arith.constant 0 : i32
        %dma_start3A_195 = tpu.memref_slice %arg2[%dma_start3A_190, %add3A_189, %dma_start3A_194] : memref<2x1024x2048xf32, #tpu.memory_space<hbm>> -> memref<1x1x2048xf32, #tpu.memory_space<hbm>>
        %dma_start3A_196 = tpu.memref_squeeze %dma_start3A_195 : memref<1x1x2048xf32, #tpu.memory_space<hbm>> -> memref<2048xf32, #tpu.memory_space<hbm>>
        tpu.enqueue_dma source(%dma_start3A_196 : memref<2048xf32, #tpu.memory_space<hbm>>) target(%arg5 : memref<2048xf32, #tpu.memory_space<vmem>>) target_semaphore(%arg17 : memref<!tpu.dma_semaphore, #tpu.memory_space<semaphore_mem>>)
        %dma_start3A_197 = arith.constant 1 : i32
        %dma_start3A_198 = arith.constant 0 : i32
        %dma_start3A_199 = tpu.memref_slice %arg2[%dma_start3A_197, %add3A_189, %dma_start3A_198] : memref<2x1024x2048xf32, #tpu.memory_space<hbm>> -> memref<1x1x2048xf32, #tpu.memory_space<hbm>>
        %dma_start3A_200 = tpu.memref_squeeze %dma_start3A_199 : memref<1x1x2048xf32, #tpu.memory_space<hbm>> -> memref<2048xf32, #tpu.memory_space<hbm>>
        %dma_start3A_201 = arith.constant 0 : i32
        %dma_start3A_202 = tpu.memref_slice %arg2[%dma_start3A_197, %add3A_189, %dma_start3A_201] : memref<2x1024x2048xf32, #tpu.memory_space<hbm>> -> memref<1x1x2048xf32, #tpu.memory_space<hbm>>
        %dma_start3A_203 = tpu.memref_squeeze %dma_start3A_202 : memref<1x1x2048xf32, #tpu.memory_space<hbm>> -> memref<2048xf32, #tpu.memory_space<hbm>>
        tpu.enqueue_dma source(%dma_start3A_203 : memref<2048xf32, #tpu.memory_space<hbm>>) target(%arg6 : memref<2048xf32, #tpu.memory_space<vmem>>) target_semaphore(%arg17 : memref<!tpu.dma_semaphore, #tpu.memory_space<semaphore_mem>>)
        %dma_start3A_204 = arith.constant 0 : i32
        %dma_start3A_205 = arith.constant 0 : i32
        %dma_start3A_206 = tpu.memref_slice %arg3[%dma_start3A_204, %add3A_189, %dma_start3A_205] : memref<2x1024x2048xi32, #tpu.memory_space<hbm>> -> memref<1x1x2048xi32, #tpu.memory_space<hbm>>
        %dma_start3A_207 = tpu.memref_squeeze %dma_start3A_206 : memref<1x1x2048xi32, #tpu.memory_space<hbm>> -> memref<2048xi32, #tpu.memory_space<hbm>>
        %dma_start3A_208 = arith.constant 0 : i32
        %dma_start3A_209 = tpu.memref_slice %arg3[%dma_start3A_204, %add3A_189, %dma_start3A_208] : memref<2x1024x2048xi32, #tpu.memory_space<hbm>> -> memref<1x1x2048xi32, #tpu.memory_space<hbm>>
        %dma_start3A_210 = tpu.memref_squeeze %dma_start3A_209 : memref<1x1x2048xi32, #tpu.memory_space<hbm>> -> memref<2048xi32, #tpu.memory_space<hbm>>
        tpu.enqueue_dma source(%dma_start3A_210 : memref<2048xi32, #tpu.memory_space<hbm>>) target(%arg7 : memref<2048xi32, #tpu.memory_space<vmem>>) target_semaphore(%arg17 : memref<!tpu.dma_semaphore, #tpu.memory_space<semaphore_mem>>)
        %dma_start3A_211 = arith.constant 1 : i32
        %dma_start3A_212 = arith.constant 0 : i32
        %dma_start3A_213 = tpu.memref_slice %arg3[%dma_start3A_211, %add3A_189, %dma_start3A_212] : memref<2x1024x2048xi32, #tpu.memory_space<hbm>> -> memref<1x1x2048xi32, #tpu.memory_space<hbm>>
        %dma_start3A_214 = tpu.memref_squeeze %dma_start3A_213 : memref<1x1x2048xi32, #tpu.memory_space<hbm>> -> memref<2048xi32, #tpu.memory_space<hbm>>
        %dma_start3A_215 = arith.constant 0 : i32
        %dma_start3A_216 = tpu.memref_slice %arg3[%dma_start3A_211, %add3A_189, %dma_start3A_215] : memref<2x1024x2048xi32, #tpu.memory_space<hbm>> -> memref<1x1x2048xi32, #tpu.memory_space<hbm>>
        %dma_start3A_217 = tpu.memref_squeeze %dma_start3A_216 : memref<1x1x2048xi32, #tpu.memory_space<hbm>> -> memref<2048xi32, #tpu.memory_space<hbm>>
        tpu.enqueue_dma source(%dma_start3A_217 : memref<2048xi32, #tpu.memory_space<hbm>>) target(%arg8 : memref<2048xi32, #tpu.memory_space<vmem>>) target_semaphore(%arg17 : memref<!tpu.dma_semaphore, #tpu.memory_space<semaphore_mem>>)
      } else {
      }
      %gt3A_169 = arith.constant 0 : i32
      %gt3A_170 = arith.cmpi sgt, %scan3A_57, %gt3A_169 : i32
      %convert_element_type3A_171 = arith.extui %gt3A_170 : i1 to i32
      %cond3A_172 = arith.constant 0 : i32
      %cond3A_173 = arith.cmpi ne, %convert_element_type3A_171, %cond3A_172 : i32
      scf.if %cond3A_173 {
        %sub3A_188 = arith.constant 2 : i32
        %sub3A_189 = arith.subi %add3A_63, %sub3A_188 : i32
        %dma_wait3A_190 = arith.constant 0 : i32
        %dma_wait3A_191 = tpu.memref_slice %arg4[%sub3A_189, %dma_wait3A_190] : memref<1024x3072xf32, #tpu.memory_space<hbm>> -> memref<1x3072xf32, #tpu.memory_space<hbm>>
        %dma_wait3A_192 = tpu.memref_squeeze %dma_wait3A_191 : memref<1x3072xf32, #tpu.memory_space<hbm>> -> memref<3072xf32, #tpu.memory_space<hbm>>
        %dma_wait3A_193 = arith.constant 0 : i32
        %dma_wait3A_194 = tpu.memref_slice %arg4[%sub3A_189, %dma_wait3A_193] : memref<1024x3072xf32, #tpu.memory_space<hbm>> -> memref<1x3072xf32, #tpu.memory_space<hbm>>
        %dma_wait3A_195 = tpu.memref_squeeze %dma_wait3A_194 : memref<1x3072xf32, #tpu.memory_space<hbm>> -> memref<3072xf32, #tpu.memory_space<hbm>>
        tpu.wait_dma2 semaphore(%arg18 : memref<!tpu.dma_semaphore, #tpu.memory_space<semaphore_mem>>) src(%arg16 : memref<3072xf32, #tpu.memory_space<vmem>>) dst(%dma_wait3A_195 : memref<3072xf32, #tpu.memory_space<hbm>>)
      } else {
      }
      %parallel_loop3A_174 = arith.constant 0 : i32
      %parallel_loop3A_175 = arith.constant 2048 : i32
      %parallel_loop3A_176 = arith.constant 16 : i32
      scf.for %parallel_loop3A_188 = %parallel_loop3A_174 to %parallel_loop3A_175 step %parallel_loop3A_176  : i32 {
        %parallel_loop3A_189 = arith.index_cast %parallel_loop3A_188 : i32 to index
        %parallel_loop3A_190 = tpu.vector_load %arg11[%parallel_loop3A_189] {strides = array<i32>} : memref<2048xi32, #tpu.memory_space<vmem>>, vector<16xi32>,
        %parallel_loop3A_191 = arith.index_cast %parallel_loop3A_188 : i32 to index
        %parallel_loop3A_192 = tpu.vector_load %arg9[%parallel_loop3A_191] {strides = array<i32>} : memref<2048xf32, #tpu.memory_space<vmem>>, vector<16xf32>,
        tpu.vector_store_idx %arg13[%parallel_loop3A_190], %parallel_loop3A_192 {add = true} : memref<3072xf32, #tpu.memory_space<vmem>>[vector<16xi32>], vector<16xf32>,
        %parallel_loop3A_193 = arith.index_cast %parallel_loop3A_188 : i32 to index
        %parallel_loop3A_194 = tpu.vector_load %arg12[%parallel_loop3A_193] {strides = array<i32>} : memref<2048xi32, #tpu.memory_space<vmem>>, vector<16xi32>,
        %parallel_loop3A_195 = arith.index_cast %parallel_loop3A_188 : i32 to index
        %parallel_loop3A_196 = tpu.vector_load %arg10[%parallel_loop3A_195] {strides = array<i32>} : memref<2048xf32, #tpu.memory_space<vmem>>, vector<16xf32>,
        tpu.vector_store_idx %arg14[%parallel_loop3A_194], %parallel_loop3A_196 {add = true} : memref<3072xf32, #tpu.memory_space<vmem>>[vector<16xi32>], vector<16xf32>,
      } {sc.loop_unroll_factor = 8 : i64, sc.parallel_access}
      %parallel_loop3A_177 = arith.constant 0 : i32
      %parallel_loop3A_178 = arith.constant 3072 : i32
      %parallel_loop3A_179 = arith.constant 16 : i32
      %parallel_loop3A_180:2 = scf.for %parallel_loop3A_188 = %parallel_loop3A_177 to %parallel_loop3A_178 step %parallel_loop3A_179 iter_args(%parallel_loop3A_189 = %broadcast_in_dim3A_3, %parallel_loop3A_190 = %broadcast_in_dim3A_3) -> (vector<16xf32>, vector<16xf32>)  : i32 {
        %parallel_loop3A_191 = arith.index_cast %parallel_loop3A_188 : i32 to index
        %parallel_loop3A_192 = tpu.vector_load %arg13[%parallel_loop3A_191] {strides = array<i32>} : memref<3072xf32, #tpu.memory_space<vmem>>, vector<16xf32>,
        %parallel_loop3A_193 = arith.index_cast %parallel_loop3A_188 : i32 to index
        %parallel_loop3A_194 = tpu.vector_load %arg14[%parallel_loop3A_193] {strides = array<i32>} : memref<3072xf32, #tpu.memory_space<vmem>>, vector<16xf32>,
        %parallel_loop3A_195 = arith.constant 0.000000e+00 : f32
        %parallel_loop3A_196 = vector.broadcast %parallel_loop3A_195 : f32 to vector<16xf32>
        %parallel_loop3A_197 = arith.cmpf one, %parallel_loop3A_192, %parallel_loop3A_196 : vector<16xf32>
        %parallel_loop3A_198 = arith.constant -2147483648 : i32
        %parallel_loop3A_199 = vector.broadcast %parallel_loop3A_198 : i32 to vector<16xi32>
        %parallel_loop3A_200 = arith.xori %iota3A, %parallel_loop3A_199 : vector<16xi32>
        %parallel_loop3A_201 = tpu.scan <max>, %parallel_loop3A_200 masked %parallel_loop3A_197 : vector<16xi32>, vector<16xi1> -> vector<16xi32>
        %parallel_loop3A_202 = arith.xori %parallel_loop3A_201, %parallel_loop3A_199 : vector<16xi32>
        %parallel_loop3A_203 = vector.shape_cast %parallel_loop3A_202 : vector<16xi32> to vector<16x1xi32>
        %parallel_loop3A_204 = vector.shape_cast %parallel_loop3A_203 : vector<16x1xi32> to vector<16xi32>
        %parallel_loop3A_205 = tpu.dynamic_gather %parallel_loop3A_192[%parallel_loop3A_204] in [0] : vector<16xf32>, vector<16xi32> -> vector<16xf32>
        %parallel_loop3A_206 = arith.constant 0.000000e+00 : f32
        %parallel_loop3A_207 = vector.broadcast %parallel_loop3A_206 : f32 to vector<16xf32>
        %parallel_loop3A_208 = arith.cmpf one, %parallel_loop3A_194, %parallel_loop3A_207 : vector<16xf32>
        %parallel_loop3A_209 = arith.constant -2147483648 : i32
        %parallel_loop3A_210 = vector.broadcast %parallel_loop3A_209 : i32 to vector<16xi32>
        %parallel_loop3A_211 = arith.xori %iota3A, %parallel_loop3A_210 : vector<16xi32>
        %parallel_loop3A_212 = tpu.scan <max>, %parallel_loop3A_211 masked %parallel_loop3A_208 : vector<16xi32>, vector<16xi1> -> vector<16xi32>
        %parallel_loop3A_213 = arith.xori %parallel_loop3A_212, %parallel_loop3A_210 : vector<16xi32>
        %parallel_loop3A_214 = vector.shape_cast %parallel_loop3A_213 : vector<16xi32> to vector<16x1xi32>
        %parallel_loop3A_215 = vector.shape_cast %parallel_loop3A_214 : vector<16x1xi32> to vector<16xi32>
        %parallel_loop3A_216 = tpu.dynamic_gather %parallel_loop3A_194[%parallel_loop3A_215] in [0] : vector<16xf32>, vector<16xi32> -> vector<16xf32>
        %parallel_loop3A_217 = arith.constant 0.000000e+00 : f32
        %parallel_loop3A_218 = vector.broadcast %parallel_loop3A_217 : f32 to vector<16xf32>
        %parallel_loop3A_219 = arith.cmpf one, %parallel_loop3A_205, %parallel_loop3A_218 : vector<16xf32>
        %parallel_loop3A_220 = arith.select %parallel_loop3A_219, %parallel_loop3A_205, %parallel_loop3A_189 : vector<16xi1>, vector<16xf32>
        %parallel_loop3A_221 = arith.constant 0.000000e+00 : f32
        %parallel_loop3A_222 = vector.broadcast %parallel_loop3A_221 : f32 to vector<16xf32>
        %parallel_loop3A_223 = arith.cmpf one, %parallel_loop3A_216, %parallel_loop3A_222 : vector<16xf32>
        %parallel_loop3A_224 = arith.select %parallel_loop3A_223, %parallel_loop3A_216, %parallel_loop3A_190 : vector<16xi1>, vector<16xf32>
        %parallel_loop3A_225 = arith.index_cast %parallel_loop3A_188 : i32 to index
        %parallel_loop3A_226 = tpu.vector_load %arg13[%parallel_loop3A_225] {strides = array<i32>} : memref<3072xf32, #tpu.memory_space<vmem>>, vector<16xf32>,
        tpu.vector_store %arg13[%parallel_loop3A_225], %broadcast_in_dim3A_3 {strides = array<i32>} : memref<3072xf32, #tpu.memory_space<vmem>>, vector<16xf32>,
        %parallel_loop3A_227 = arith.index_cast %parallel_loop3A_188 : i32 to index
        %parallel_loop3A_228 = tpu.vector_load %arg14[%parallel_loop3A_227] {strides = array<i32>} : memref<3072xf32, #tpu.memory_space<vmem>>, vector<16xf32>,
        tpu.vector_store %arg14[%parallel_loop3A_227], %broadcast_in_dim3A_3 {strides = array<i32>} : memref<3072xf32, #tpu.memory_space<vmem>>, vector<16xf32>,
        %parallel_loop3A_229 = arith.subf %parallel_loop3A_220, %parallel_loop3A_224 : vector<16xf32>
        %parallel_loop3A_230 = arith.index_cast %parallel_loop3A_188 : i32 to index
        %parallel_loop3A_231 = tpu.vector_load %arg16[%parallel_loop3A_230] {strides = array<i32>} : memref<3072xf32, #tpu.memory_space<vmem>>, vector<16xf32>,
        tpu.vector_store %arg16[%parallel_loop3A_230], %parallel_loop3A_229 {strides = array<i32>} : memref<3072xf32, #tpu.memory_space<vmem>>, vector<16xf32>,
        %parallel_loop3A_232 = vector.shape_cast %broadcast_in_dim3A_5 : vector<16xi32> to vector<16x1xi32>
        %parallel_loop3A_233 = vector.shape_cast %parallel_loop3A_232 : vector<16x1xi32> to vector<16xi32>
        %parallel_loop3A_234 = tpu.dynamic_gather %parallel_loop3A_220[%parallel_loop3A_233] in [0] : vector<16xf32>, vector<16xi32> -> vector<16xf32>
        %parallel_loop3A_235 = vector.shape_cast %broadcast_in_dim3A_5 : vector<16xi32> to vector<16x1xi32>
        %parallel_loop3A_236 = vector.shape_cast %parallel_loop3A_235 : vector<16x1xi32> to vector<16xi32>
        %parallel_loop3A_237 = tpu.dynamic_gather %parallel_loop3A_224[%parallel_loop3A_236] in [0] : vector<16xf32>, vector<16xi32> -> vector<16xf32>
        scf.yield %parallel_loop3A_234, %parallel_loop3A_237 : vector<16xf32>, vector<16xf32>
      } {sc.loop_unroll_factor = 8 : i64, sc.parallel_access}
      %dma_start3A_181 = arith.constant 0 : i32
      %dma_start3A_182 = tpu.memref_slice %arg4[%add3A_63, %dma_start3A_181] : memref<1024x3072xf32, #tpu.memory_space<hbm>> -> memref<1x3072xf32, #tpu.memory_space<hbm>>
      %dma_start3A_183 = tpu.memref_squeeze %dma_start3A_182 : memref<1x3072xf32, #tpu.memory_space<hbm>> -> memref<3072xf32, #tpu.memory_space<hbm>>
      %dma_start3A_184 = arith.constant 0 : i32
      %dma_start3A_185 = tpu.memref_slice %arg4[%add3A_63, %dma_start3A_184] : memref<1024x3072xf32, #tpu.memory_space<hbm>> -> memref<1x3072xf32, #tpu.memory_space<hbm>>
      %dma_start3A_186 = tpu.memref_squeeze %dma_start3A_185 : memref<1x3072xf32, #tpu.memory_space<hbm>> -> memref<3072xf32, #tpu.memory_space<hbm>>
      tpu.enqueue_dma source(%arg16 : memref<3072xf32, #tpu.memory_space<vmem>>) target(%dma_start3A_186 : memref<3072xf32, #tpu.memory_space<hbm>>) target_semaphore(%arg18 : memref<!tpu.dma_semaphore, #tpu.memory_space<semaphore_mem>>)
      %scan3A_187 = arith.constant 0 : i32
      scf.yield %scan3A_187 : i32
    }
    %scan3A_40 = arith.constant 16 : i32
    %add3A_41 = arith.constant 32 : i32
    %add3A_42 = arith.addi %mul3A_2, %add3A_41 : i32
    %sub3A = arith.constant 1 : i32
    %sub3A_43 = arith.subi %add3A_42, %sub3A : i32
    %sub3A_44 = arith.constant 1 : i32
    %sub3A_45 = arith.subi %sub3A_43, %sub3A_44 : i32
    %dma_wait3A = arith.constant 0 : i32
    %dma_wait3A_46 = tpu.memref_slice %arg4[%sub3A_45, %dma_wait3A] : memref<1024x3072xf32, #tpu.memory_space<hbm>> -> memref<1x3072xf32, #tpu.memory_space<hbm>>
    %dma_wait3A_47 = tpu.memref_squeeze %dma_wait3A_46 : memref<1x3072xf32, #tpu.memory_space<hbm>> -> memref<3072xf32, #tpu.memory_space<hbm>>
    %dma_wait3A_48 = arith.constant 0 : i32
    %dma_wait3A_49 = tpu.memref_slice %arg4[%sub3A_45, %dma_wait3A_48] : memref<1024x3072xf32, #tpu.memory_space<hbm>> -> memref<1x3072xf32, #tpu.memory_space<hbm>>
    %dma_wait3A_50 = tpu.memref_squeeze %dma_wait3A_49 : memref<1x3072xf32, #tpu.memory_space<hbm>> -> memref<3072xf32, #tpu.memory_space<hbm>>
    tpu.wait_dma2 semaphore(%arg18 : memref<!tpu.dma_semaphore, #tpu.memory_space<semaphore_mem>>) src(%arg15 : memref<3072xf32, #tpu.memory_space<vmem>>) dst(%dma_wait3A_50 : memref<3072xf32, #tpu.memory_space<hbm>>)
    %dma_wait3A_51 = arith.constant 0 : i32
    %dma_wait3A_52 = tpu.memref_slice %arg4[%sub3A_43, %dma_wait3A_51] : memref<1024x3072xf32, #tpu.memory_space<hbm>> -> memref<1x3072xf32, #tpu.memory_space<hbm>>
    %dma_wait3A_53 = tpu.memref_squeeze %dma_wait3A_52 : memref<1x3072xf32, #tpu.memory_space<hbm>> -> memref<3072xf32, #tpu.memory_space<hbm>>
    %dma_wait3A_54 = arith.constant 0 : i32
    %dma_wait3A_55 = tpu.memref_slice %arg4[%sub3A_43, %dma_wait3A_54] : memref<1024x3072xf32, #tpu.memory_space<hbm>> -> memref<1x3072xf32, #tpu.memory_space<hbm>>
    %dma_wait3A_56 = tpu.memref_squeeze %dma_wait3A_55 : memref<1x3072xf32, #tpu.memory_space<hbm>> -> memref<3072xf32, #tpu.memory_space<hbm>>
    tpu.wait_dma2 semaphore(%arg18 : memref<!tpu.dma_semaphore, #tpu.memory_space<semaphore_mem>>) src(%arg16 : memref<3072xf32, #tpu.memory_space<vmem>>) dst(%dma_wait3A_56 : memref<3072xf32, #tpu.memory_space<hbm>>)
    return
  }
}

</mosaic_0001>

<sc_bundles>
// kernel: kernel.3.cloned.1.call-start
scs
__scs_entry_jumppad:
0x0: {  	(pc) =	sbr.rel $0x88, $3  }
0x1: {  	(tag) =	ssettag $0x0;
	lr =	simm.s32 $0x1  }
0x2: {  	[smem:$0x3F9F] =	sst lr;
	_ =	strace $0xD0000000  }
0x3: {  	_ = 	snop  }
0x4: {  	_ = 	snop  }
0x5: {  	_ = 	snop  }
0x6: {  	_ = 	snop  }
0x7: {  	_ = 	snop  }
__scs_overlays_trampoline_lowered:
0x8: {  	[smem:$0x3FAE] =	sst s0  }
0x9: {  	[smem:$0x3FAF] =	sst s1  }
0xa: {  	[smem:$0x3FB0] =	sst s2  }
0xb: {  	[smem:$0x3FB1] =	sst s3  }
0xc: {  	[smem:$0x3FB2] =	sst s4  }
0xd: {  	[smem:$0x3FB3] =	sst s5  }
0xe: {  	[smem:$0x3FB4] =	sst s6  }
0xf: {  	[smem:$0x3FB5] =	sst s7  }
0x10: {  	[smem:$0x3FB6] =	sst s8  }
0x11: {  	[smem:$0x3FB7] =	sst s9;
	s0 =	simm.s32 @!p0 $0x0  }
0x12: {  	s1 =	sld [smem:$0x3F9D];
	s0 =	simm.s32 @p0 $0x1  }
0x13: {  	[smem:$0x3FB8] =	sst s0;
	s0 =	simm.s32 @!p1 $0x0  }
0x14: {  	s2 =	sld [smem:$0x3F9C];
	s0 =	simm.s32 @p1 $0x1  }
0x15: {  	[smem:$0x3FB9] =	sst s0;
	s0 =	simm.s32 @!p2 $0x0  }
0x16: {  	s3 =	sld [smem:$0x3FDB];
	s0 =	simm.s32 @p2 $0x1  }
0x17: {  	s4 =	simm.s32 $0x1BF5;
	[smem:$0x3FBB] =	sst s0  }
0x18: {  	s0 =	sld [smem:$0x3F9E];
	_ =	swait.ge [sflag:s4], $0x0  }
0x19: {  	s7 =	sld [smem:$0x3F9F]  }
0x1a: {  	s8 =	sadd.s32 $0xFFFFE003, lr  }
0x1b: {  	s9 =	sadd.s32 $0xFFFFFEF7, lr;
	s5 =	simm.s32 $0xFFFFFFFF;
	p2 =	slt.u32 s8, $0xFFFFF086  }
0x1c: {  	p1 =	slt.u32 s9, $0xF7A;
	s5 =	simm.s32 @!p2 $0x0  }
0x1d: {  	s5 =	simm.s32 @p1 $0x1;
	p0 =	seq.s32 s7, s2  }
0x1e: {  	s7 =	smul.u32 @!p0 $0xF7A, s2;
	p2 =	seq.s32 @!p0 s5, $0x0  }
0x1f: {  	s9 =	smul.u32 $0xF7A, s1;
	s8 =	simm.s32 @!p0 $0x1BF5;
	p2 =	por !p2, p0  }
0x20: {  	[sflag:s8] =	ssyncset.s32 @!p0 $0xFFFFF086;
	s6 =	sadd.s32 @!p0 s3, s7;
	s7 =	simm.s32 @!p0 $0x108  }
0x21: {  	s3 =	sadd.s32 s3, s9;
	s6 =	sadd.s32 @!p0 $0x88, s6;
	s7 =	simm.s32 @p2 $0x1082  }
0x22: {  	[simem:s7], [sflag:s8] =	dma.local @!p0 [hbm:s6], $0xF7A  }
0x23: {  	s9 =	sor.u32 $0xD0000000, s2;
	s6 =	simm.s32 $0x108;
	_ =	swait.ge @!p0 [sflag:s8], $0x0  }
0x24: {  	s3 =	sadd.s32 $0x88, s3;
	s6 =	simm.s32 @!p1 $0x1082;
	[sflag:s4] =	ssyncset.s32 $0xFFFFF086  }
0x25: {  	[simem:s6], [sflag:s4] =	dma.local [hbm:s3], $0xF7A  }
0x26: {  	[smem:$0x3F9F] =	sst s1;
	(tag) =	ssettag s2;
	_ =	strace s9  }
0x27: {  	s1 =	sld [smem:$0x3FAF]  }
0x28: {  	s2 =	sld [smem:$0x3FB0]  }
0x29: {  	s4 =	sld [smem:$0x3FB2]  }
0x2a: {  	p0 =	seq.s32 s5, $0x0;
	s5 =	sld [smem:$0x3FB3]  }
0x2b: {  	s6 =	sld [smem:$0x3FB4]  }
0x2c: {  	s7 =	sld [smem:$0x3FB5]  }
0x2d: {  	s3 =	simm.s32 $0x108;
	s8 =	sld [smem:$0x3FB6]  }
0x2e: {  	s3 =	simm.s32 @!p0 $0x1082;
	s9 =	sld [smem:$0x3FB7]  }
0x2f: {  	lr =	sadd.s32 s0, s3;
	s0 =	sld [smem:$0x3FAE]  }
0x30: {  	s3 =	sld [smem:$0x3FB1]  }
0x31: {  	[smem:$0x3FBA] =	sst s10  }
0x32: {  	s10 =	sld [smem:$0x3FB8];
	_ =	sdelay $0x3  }
0x33: {  	p0 =	seq.s32 s10, $0x1;
	s10 =	sld [smem:$0x3FBA];
	_ =	sdelay $0x3  }
0x34: {  	[smem:$0x3FBA] =	sst s10  }
0x35: {  	s10 =	sld [smem:$0x3FB9];
	_ =	sdelay $0x3  }
0x36: {  	p1 =	seq.s32 s10, $0x1;
	s10 =	sld [smem:$0x3FBA];
	_ =	sdelay $0x3  }
0x37: {  	[smem:$0x3FBA] =	sst s10  }
0x38: {  	s10 =	sld [smem:$0x3FBB]  }
0x39: {  	_ = 	snop;
	(pc) =	sbr.ind lr, $3  }
0x3a: {  	_ = 	snop  }
0x3b: {  	_ = 	snop  }
0x3c: {  	p2 =	seq.s32 s10, $0x1;
	s10 =	sld [smem:$0x3FBA]  }
0x3d: {  	_ =	shalt  }
0x3e: {  	_ =	shalt  }
0x3f: {  	_ =	shalt  }
0x40: {  	_ =	shalt  }
0x41: {  	_ =	shalt  }
0x42: {  	_ =	shalt  }
0x43: {  	_ =	shalt  }
0x44: {  	_ =	shalt  }
0x45: {  	_ =	shalt  }
0x46: {  	_ =	shalt  }
0x47: {  	_ =	shalt  }
0x48: {  	_ =	shalt  }
0x49: {  	_ =	shalt  }
0x4a: {  	_ =	shalt  }
0x4b: {  	_ =	shalt  }
0x4c: {  	_ =	shalt  }
0x4d: {  	_ =	shalt  }
0x4e: {  	_ =	shalt  }
0x4f: {  	_ =	shalt  }
0x50: {  	_ =	shalt  }
0x51: {  	_ =	shalt  }
0x52: {  	_ =	shalt  }
0x53: {  	_ =	shalt  }
0x54: {  	_ =	shalt  }
0x55: {  	_ =	shalt  }
0x56: {  	_ =	shalt  }
0x57: {  	_ =	shalt  }
0x58: {  	_ =	shalt  }
0x59: {  	_ =	shalt  }
0x5a: {  	_ =	shalt  }
0x5b: {  	_ =	shalt  }
0x5c: {  	_ =	shalt  }
0x5d: {  	_ =	shalt  }
0x5e: {  	_ =	shalt  }
0x5f: {  	_ =	shalt  }
0x60: {  	_ =	shalt  }
0x61: {  	_ =	shalt  }
0x62: {  	_ =	shalt  }
0x63: {  	_ =	shalt  }
0x64: {  	_ =	shalt  }
0x65: {  	_ =	shalt  }
0x66: {  	_ =	shalt  }
0x67: {  	_ =	shalt  }
0x68: {  	_ =	shalt  }
0x69: {  	_ =	shalt  }
0x6a: {  	_ =	shalt  }
0x6b: {  	_ =	shalt  }
0x6c: {  	_ =	shalt  }
0x6d: {  	_ =	shalt  }
0x6e: {  	_ =	shalt  }
0x6f: {  	_ =	shalt  }
0x70: {  	_ =	shalt  }
0x71: {  	_ =	shalt  }
0x72: {  	_ =	shalt  }
0x73: {  	_ =	shalt  }
0x74: {  	_ =	shalt  }
0x75: {  	_ =	shalt  }
0x76: {  	_ =	shalt  }
0x77: {  	_ =	shalt  }
0x78: {  	_ =	shalt  }
0x79: {  	_ =	shalt  }
0x7a: {  	_ =	shalt  }
0x7b: {  	_ =	shalt  }
0x7c: {  	_ =	shalt  }
0x7d: {  	_ =	shalt  }
0x7e: {  	_ =	shalt  }
0x7f: {  	_ =	shalt  }
0x80: {  	_ =	shalt  }
0x81: {  	_ =	shalt  }
0x82: {  	_ =	shalt  }
0x83: {  	_ =	shalt  }
0x84: {  	_ =	shalt  }
0x85: {  	_ =	shalt  }
0x86: {  	_ =	shalt  }
0x87: {  	_ =	shalt  }
.Lfunc_end0:
.L_simem_size_0:
called_computation_lowered:
.L_overlay_start_0:
0x88: {  	s2 =	sld [smem:$0x3FD9]  }
0x89: {  	s3 =	sld [smem:$0x3FFE];
	_ =	sdelay $0x1  }
0x8a: {  	s1 =	srdreg.scid  }
0x8b: {  	s0 =	sand.u32 $0x1, s1  }
0x8c: {  	s17 =	sshll.u32 s0, $0xA;
	s2 =	sadd.s32 s3, s2  }
0x8d: {  	s2 =	sadd.s32 s2, s17  }
0x8e: {  	[smem:$0x3FC6] =	sst s2  }
0x8f: {  	_ = 	snop  }
0x90: {  	s2 =	sld [smem:$0x3FC9]  }
0x91: {  	s18 =	sld [smem:$0x3FC8];
	(tm) =	ssettm $0x1  }
0x92: {  	s4 =	sld [smem:$0x3FFB];
	_ =	sdelay $0x3  }
0x93: {  	_ =	strace s4  }
0x94: {  	s4 =	sld [smem:$0x3FFC];
	_ =	sdelay $0x3  }
0x95: {  	_ =	strace s4  }
0x96: {  	s4 =	sld [smem:$0x3FFD];
	_ =	sdelay $0x3  }
0x97: {  	_ =	strace s4  }
0x98: {  	_ =	strace $0x8FFFFFFF  }
0x99: {  	s19 =	sld [smem:$0x3FDB];
	_ =	sdelay $0x1  }
0x9a: {  	s5 =	simm.s32 $_scs_section_size  }
0x9b: {  	s6 =	simm.s32 $_size__tile_overlayer_lowered;
	s7 =	simm.s32 $_tile_overlayer_lowered  }
0x9c: {  	s22 =	simm.s32 $0x1BFF;
	s21 =	sshll.u32 s7, $0x1;
	s4 =	sadd.s32 s5, s19  }
0x9d: {  	s8 =	simm.s32 $0x0;
	s20 =	sshll.u32 s6, $0x1;
	s6 =	sadd.s32 s21, s4  }
0x9e: {  	[timem:s8], [sflag:s22] =	dma.local [hbm:s6], s20  }
0x9f: {  	_ =	swait.ge [sflag:s22], s20  }
0xa0: {  	s5 =	ssub.s32 $0x0, s20;
	[sflag:s22] =	ssyncset.done $0x0  }
0xa1: {  	[sflag:s22] =	ssyncadd.s32 s5;
	_ =	sdelay $0x1  }
0xa2: {  	s23 =	simm.s32 $0x1B8B  }
0xa3: {  	_ =	swait.ge [sflag:s23], $0x1  }
0xa4: {  	[sflag:s23] =	ssyncset.done $0x0  }
0xa5: {  	s25 =	simm.s32 $0x1B8E;
	s24 =	sld [smem:$0x3FFE];
	[sflag:s23] =	ssyncadd.s32 $0xFFFFFFFF  }
0xa6: {  	s26 =	simm.s32 $execute0_lowered;
	[smem:$0x3FD2] =	sst s25  }
0xa7: {  	s6 =	sshll.u32 s26, $0x1;
	_ =	strace $0x80000046;
	[dreg:$0x1] =	wrdreg $0xFFFFFFFF  }
0xa8: {  	s28 =	simm.s32 $_size_execute0_lowered;
	s4 =	sadd.s32 s4, s6;
	[dreg:$0x0] =	wrdreg $0x0  }
0xa9: {  	s6 =	sshll.u32 s28, $0x1;
	[dreg:$0x2] =	wrdreg s4  }
0xaa: {  	[dreg:$0x3] =	wrdreg s6  }
0xab: {  	[dreg:$0x4] =	wrdreg $0xC0  }
0xac: {  	_ =	task [dreg:s8], $0x5FFFF  }
0xad: {  	[dreg:$0x1] =	wrdreg $0xFFFFFFFF  }
0xae: {  	[dreg:$0x0] =	wrdreg $0x60  }
0xaf: {  	[dreg:$0x2] =	wrdreg s2  }
0xb0: {  	[dreg:$0x3] =	wrdreg s18  }
0xb1: {  	[dreg:$0x4] =	wrdreg s24  }
0xb2: {  	[dreg:$0x5] =	wrdreg $0x9  }
0xb3: {  	_ =	task.clear_ibuf [dreg:s8], $0x6FFFF;
	_ =	strace $0x90000046  }
0xb4: {  	s29 =	simm.s32 $0x9;
	_ =	strace $0x80000048  }
0xb5: {  	_ =	swait.ge [sflag:s29], $0x1  }
0xb6: {  	[sflag:s29] =	ssyncadd.s32 $0xFFFFFFFF  }
0xb7: {  	_ =	strace $0x90000048  }
0xb8: {  	_ =	sfence  }
0xb9: {  	s30 =	sld [smem:$0x0];
	_ =	sdelay $0x2  }
0xba: {  	s31 =	sshll.u32 s1, $0xD;
	s1 =	sshrl.u32 s1, $0x2  }
0xbb: {  	s3 =	sand.u32 $0x4000, s31;
	s1 =	sadd.s32 s1, s30  }
0xbc: {  	s0 =	sor.u32 s3, s0;
	s1 =	sshll.u32 s1, $0x11  }
0xbd: {  	s0 =	sor.u32 s1, s0  }
0xbe: {  	s0 =	sadd.s32 $0x8F2B, s0  }
0xbf: {  	[sflag:s0] =	ssyncadd.remote.s32 $0x1  }
0xc0: {  	_ =	sfence.sel $0xFFFF  }
0xc1: {  	[dreg:$0x0] =	wrdreg $0xFFFFFFFF;
	(pc) =	sbr.abs _section_cstart, $3  }
0xc2: {  	[dreg:$0x1] =	wrdreg $0xFFFFFFFF  }
0xc3: {  	_ =	task.clear_ibuf [dreg:s8], $0x2FFFF;
	_ =	strace $0x9FFFFFFF  }
0xc4: {  	(tm) =	ssettm $0x7FFFFFFF  }
0xc5: {  	_ =	shalt  }
tec
execute0_lowered:
.L_overlay_start_1:
0x0: {  	(tag) =	ssettag $0x1  }
0x1: {  	s1 =	rddreg [dreg:$0x0]  }
0x2: {  	s3 =	rddreg [dreg:$0x1]  }
0x3: {  	s0 =	rddreg [dreg:$0x2]  }
0x4: {  	s2 =	srdreg.scid;
	s5 =	stileid.u32;
	s4 =	simm.s32 $0x0  }
0x5: {  	s12 =	simm.s32 $0x80;
	s13 =	simm.s32 $0x400;
	s17 =	simm.s32 $0x1  }
0x6: {  	s18 =	simm.s32 $0x2000;
	s19 =	simm.s32 $0x2800;
	s20 =	simm.s32 $0x3000  }
0x7: {  	s21 =	simm.s32 $0x3800;
	s22 =	simm.s32 $0x4000;
	s2 =	sand.u32 $0x1, s2  }
0x8: {  	s23 =	simm.s32 $0x4C00;
	s5 =	sshll.u32 s5, $0x6;
	s6 =	sshll.u32 s2, $0x5  }
0x9: {  	s24 =	simm.s32 $0x5800;
	[smem:$0x7FF] =	sst s4;
	s5 =	sor.u32 s6, s5  }
0xa: {  	s25 =	simm.s32 $0x6400;
	_ =	strace $0x80000047;
	s7 =	sshll.u32 s5, $0x8  }
0xb: {  	s2 =	ssub.s32 $0x2, s2;
	s6 =	sadd.s32 $0x400, s0;
	s28 =	sadd.s32 s1, s7  }
0xc: {  	s8 =	sor.u32 $0x40000, s7;
	s30 =	sadd.s32 s3, s7;
	[dreg:$0x4] =	wrdreg s28  }
0xd: {  	s26 =	sshrl.u32 s2, $0x1;
	s29 =	sadd.s32 s1, s8;
	[dreg:$0x6] =	wrdreg s30  }
0xe: {  	v1 =	vlaneseq.u32;
	s0 =	ssub.s32 s2, s26;
	s31 =	sadd.s32 s3, s8;
	[dreg:$0x5] =	wrdreg s29  }
0xf: {  	v0 =	vimm.f32 $0.0e+00;
	v2 =	vimm.s32 $0xF;
	v1 =	vor.u32 $0x80000000, v1;
	s26 =	simm.s32 $0x2;
	s11 =	smax.u32 s0, $0x1;
	[dreg:$0x7] =	wrdreg s31  }
.LBB2_1:
0x10: {  	s2 =	simm.s32 $0x4020  }
0x11: {  	[tilespmem:s2+$0xFFFFFFF0] =	vst v0  }
0x12: {  	[tilespmem:s2+$0x0] =	vst v0  }
0x13: {  	[tilespmem:s2+$0x10] =	vst v0  }
0x14: {  	s0 =	simm.s32 $0x4C20;
	[tilespmem:s2+$0xFFFFFFE0] =	vst v0  }
0x15: {  	[tilespmem:s0+$0xFFFFFFF0] =	vst v0  }
0x16: {  	[tilespmem:s0+$0x0] =	vst v0  }
0x17: {  	[tilespmem:s0+$0x10] =	vst v0  }
0x18: {  	s7 =	simm.s32 $0x4060;
	s2 =	simm.s32 $0x0;
	[tilespmem:s0+$0xFFFFFFE0] =	vst v0  }
.LBB2_2:
0x19: {  	[tilespmem:s7+$0xFFFFFFF0] =	vst v0;
	s0 =	sadd.s32 $0x40, s0  }
0x1a: {  	s2 =	sadd.s32 $0x40, s2;
	[tilespmem:s0+$0xFFFFFFF0] =	vst v0  }
0x1b: {  	p0 =	slt.u32 s2, $0xBC0;
	[tilespmem:s7+$0x0] =	vst v0  }
.Ltmp0:
0x1c: {  	[tilespmem:s0+$0x0] =	vst v0;
	(pc) =	sbr.rel @p0 .LBB2_2-.Ltmp0, $4  }
0x1d: {  	[tilespmem:s7+$0x10] =	vst v0  }
0x1e: {  	[tilespmem:s0+$0x10] =	vst v0  }
0x1f: {  	[tilespmem:s7+$0xFFFFFFE0] =	vst v0  }
0x20: {  	s7 =	sadd.s32 $0x40, s7;
	[tilespmem:s0+$0xFFFFFFE0] =	vst v0  }
0x21: {  	s28 =	simm.s32 $0x0;
	s0 =	rddreg [dreg:$0x4]  }
0x22: {  	[tilespmem:s28], [sflag:$0x1] =	stream.strided.gather [hbm4b:s0+s12], $0x800, s13, s12, $0x38;
	[tilespmem:$0x7000] =	vst v63  }
0x23: {  	s15 =	rddreg [dreg:$0x5];
	s2 =	simm.s32 $0x800  }
0x24: {  	[tilespmem:s2], [sflag:$0x1] =	stream.strided.gather [hbm4b:s15+s12], $0x800, s13, s12, $0x38;
	[tilespmem:$0x7000] =	vst v63  }
0x25: {  	s16 =	rddreg [dreg:$0x6];
	s29 =	simm.s32 $0x1000  }
0x26: {  	[tilespmem:s29], [sflag:$0x1] =	stream.strided.gather [hbm4b:s16+s12], $0x800, s13, s12, $0x38;
	[tilespmem:$0x7000] =	vst v63  }
0x27: {  	s30 =	rddreg [dreg:$0x7];
	s31 =	simm.s32 $0x1800  }
0x28: {  	[tilespmem:s31], [sflag:$0x1] =	stream.strided.gather [hbm4b:s30+s12], $0x800, s13, s12, $0x38;
	[tilespmem:$0x7000] =	vst v63  }
.LBB2_4:
0x29: {  	_ =	swait.ge [sflag:s17], $0x800  }
0x2a: {  	[sflag:s17] =	ssyncset.done $0x0  }
0x2b: {  	[sflag:s17] =	ssyncadd.s32 $0xFFFFF800  }
0x2c: {  	_ =	swait.ge [sflag:s17], $0x800  }
0x2d: {  	[sflag:s17] =	ssyncset.done $0x0  }
0x2e: {  	s0 =	sshll.u32 s28, $0x1;
	[sflag:s17] =	ssyncadd.s32 $0xFFFFF800  }
0x2f: {  	s10 =	sshll.u32 s28, $0x8;
	s31 =	sadd.s32 s5, s0;
	_ =	swait.ge [sflag:s17], $0x800  }
0x30: {  	s0 =	sand.u32 $0x300, s10;
	s30 =	sshrl.u32 s31, $0x3;
	[sflag:s17] =	ssyncset.done $0x0  }
0x31: {  	s29 =	sor.u32 $0x80, s0;
	s2 =	sshll.u32 s30, $0xE;
	[sflag:s17] =	ssyncadd.s32 $0xFFFFF800  }
0x32: {  	s2 =	sor.u32 s29, s2;
	_ =	swait.ge [sflag:s17], $0x800  }
0x33: {  	s2 =	sshrl.u32 s2, $0x3;
	[sflag:s17] =	ssyncset.done $0x0  }
0x34: {  	s7 =	sadd.s32 s1, s2;
	s14 =	sor.u32 $0x40000, s2;
	[sflag:s17] =	ssyncadd.s32 $0xFFFFF800  }
0x35: {  	[tilespmem:s18], [sflag:$0x1] =	stream.strided.gather [hbm4b:s7+s12], $0x800, s13, s12, $0x38;
	[tilespmem:$0x7000] =	vst v63  }
0x36: {  	s8 =	sadd.s32 s1, s14  }
0x37: {  	[tilespmem:s19], [sflag:$0x1] =	stream.strided.gather [hbm4b:s8+s12], $0x800, s13, s12, $0x38;
	[tilespmem:$0x7000] =	vst v63  }
0x38: {  	p0 =	seq.s32 s28, $0x0;
	s2 =	sadd.s32 s3, s2  }
0x39: {  	[tilespmem:s20], [sflag:$0x1] =	stream.strided.gather [hbm4b:s2+s12], $0x800, s13, s12, $0x38;
	[tilespmem:$0x7000] =	vst v63  }
0x3a: {  	s15 =	sadd.s32 s3, s14;
	s2 =	simm.s32 @!p0 $0x2  }
0x3b: {  	[tilespmem:s21], [sflag:$0x1] =	stream.strided.gather [hbm4b:s15+s12], $0x800, s13, s12, $0x38;
	[tilespmem:$0x7000] =	vst v63  }
0x3c: {  	_ =	swait.ge @!p0 [sflag:s2], $0xC00  }
0x3d: {  	[sflag:s2] =	ssyncset.done @!p0 $0x0  }
0x3e: {  	s16 =	simm.s32 $0x1040;
	[sflag:s2] =	ssyncadd.s32 @!p0 $0xFFFFF400  }
0x3f: {  	v3 =	vld [tilespmem:s16+$0x30]  }
0x40: {  	v4 =	vld [tilespmem:s16+$0xFFFFFFD0]  }
0x41: {  	s7 =	simm.s32 $0x40;
	v5 =	vld [tilespmem:s16+$0xFFFFFFE0]  }
0x42: {  	v6 =	vld [tilespmem:s7+$0x30]  }
0x43: {  	v7 =	vld [tilespmem:s16+$0xFFFFFFF0]  }
0x44: {  	v8 =	vld [tilespmem:s16+$0x0]  }
0x45: {  	v9 =	vld [tilespmem:s16+$0x10]  }
0x46: {  	v10 =	vld [tilespmem:s16+$0x20]  }
0x47: {  	v51 =	vld [tilespmem:s16+$0xFFFFFFC0]  }
0x48: {  	v11 =	vld [tilespmem:s7+$0xFFFFFFC0]  }
0x49: {  	v13 =	vld [tilespmem:s7+$0xFFFFFFD0]  }
0x4a: {  	v14 =	vld [tilespmem:s7+$0xFFFFFFE0]  }
0x4b: {  	v15 =	vld [tilespmem:s7+$0xFFFFFFF0]  }
0x4c: {  	v16 =	vld [tilespmem:s7+$0x0]  }
0x4d: {  	v52 =	vld [tilespmem:s7+$0x20]  }
0x4e: {  	[tilespmem:v3+s22+$0x0] =	vst.idx.add.f32.msk $0xffff, v6  }
0x4f: {  	[tilespmem:v51+s22+$0x0] =	vst.idx.add.f32.msk $0xffff, v11  }
0x50: {  	[tilespmem:v4+s22+$0x0] =	vst.idx.add.f32.msk $0xffff, v13  }
0x51: {  	[tilespmem:v5+s22+$0x0] =	vst.idx.add.f32.msk $0xffff, v14  }
0x52: {  	[tilespmem:v7+s22+$0x0] =	vst.idx.add.f32.msk $0xffff, v15  }
0x53: {  	[tilespmem:v8+s22+$0x0] =	vst.idx.add.f32.msk $0xffff, v16  }
0x54: {  	s14 =	simm.s32 $0x1840;
	[tilespmem:v10+s22+$0x0] =	vst.idx.add.f32.msk $0xffff, v52  }
0x55: {  	s8 =	simm.s32 $0x840;
	v3 =	vld [tilespmem:s14+$0x30]  }
0x56: {  	v12 =	vld [tilespmem:s8+$0x30]  }
0x57: {  	v4 =	vld [tilespmem:s14+$0xFFFFFFD0]  }
0x58: {  	v5 =	vld [tilespmem:s14+$0xFFFFFFE0]  }
0x59: {  	v53 =	vld [tilespmem:s14+$0xFFFFFFF0]  }
0x5a: {  	v54 =	vld [tilespmem:s14+$0x0]  }
0x5b: {  	v56 =	vld [tilespmem:s14+$0x20]  }
0x5c: {  	v57 =	vld [tilespmem:s8+$0xFFFFFFC0]  }
0x5d: {  	v58 =	vld [tilespmem:s8+$0xFFFFFFD0]  }
0x5e: {  	[tilespmem:v3+s23+$0x0] =	vst.idx.add.f32.msk $0xffff, v12  }
0x5f: {  	v3 =	vld [tilespmem:s7+$0x10]  }
0x60: {  	v59 =	vld [tilespmem:s8+$0xFFFFFFE0]  }
0x61: {  	v60 =	vld [tilespmem:s8+$0xFFFFFFF0]  }
0x62: {  	v61 =	vld [tilespmem:s8+$0x0]  }
0x63: {  	v63 =	vld [tilespmem:s8+$0x20]  }
0x64: {  	[tilespmem:v9+s22+$0x0] =	vst.idx.add.f32.msk $0xffff, v3  }
0x65: {  	v3 =	vld [tilespmem:s14+$0xFFFFFFC0]  }
0x66: {  	v55 =	vld [tilespmem:s14+$0x10]  }
0x67: {  	[tilespmem:v4+s23+$0x0] =	vst.idx.add.f32.msk $0xffff, v58  }
0x68: {  	[tilespmem:v5+s23+$0x0] =	vst.idx.add.f32.msk $0xffff, v59  }
0x69: {  	v62 =	vld [tilespmem:s8+$0x10]  }
0x6a: {  	[tilespmem:v53+s23+$0x0] =	vst.idx.add.f32.msk $0xffff, v60  }
0x6b: {  	[tilespmem:v54+s23+$0x0] =	vst.idx.add.f32.msk $0xffff, v61  }
0x6c: {  	[tilespmem:v56+s23+$0x0] =	vst.idx.add.f32.msk $0xffff, v63  }
0x6d: {  	s9 =	simm.s32 $0x0;
	s10 =	simm.s32 $0x10C0;
	[tilespmem:v3+s23+$0x0] =	vst.idx.add.f32.msk $0xffff, v57  }
0x6e: {  	s15 =	simm.s32 $0x4C40;
	s2 =	simm.s32 $0x5840;
	s16 =	simm.s32 $0x4040;
	[tilespmem:v55+s23+$0x0] =	vst.idx.add.f32.msk $0xffff, v62  }
.LBB2_5:
0x6f: {  	v3 =	vld [tilespmem:s10+$0x30];
	s9 =	sadd.s32 $0x80, s9  }
0x70: {  	v5 =	vld [tilespmem:s10+$0xFFFFFFD0];
	p0 =	slt.u32 s9, $0x780  }
0x71: {  	s7 =	sadd.s32 $0x80, s7;
	v6 =	vld [tilespmem:s10+$0xFFFFFFE0]  }
0x72: {  	v4 =	vld [tilespmem:s7+$0x30]  }
0x73: {  	v7 =	vld [tilespmem:s10+$0xFFFFFFF0]  }
0x74: {  	v8 =	vld [tilespmem:s10+$0x0]  }
0x75: {  	v9 =	vld [tilespmem:s10+$0x10]  }
0x76: {  	v10 =	vld [tilespmem:s10+$0x20]  }
0x77: {  	s14 =	sadd.s32 $0x80, s14;
	[tilespmem:v3+s22+$0x0] =	vst.idx.add.f32.msk $0xffff, v4  }
0x78: {  	v3 =	vld [tilespmem:s14+$0x30]  }
0x79: {  	v11 =	vld [tilespmem:s10+$0xFFFFFFC0]  }
0x7a: {  	s8 =	sadd.s32 $0x80, s8;
	v12 =	vld [tilespmem:s7+$0xFFFFFFC0]  }
0x7b: {  	v4 =	vld [tilespmem:s8+$0x30]  }
0x7c: {  	v13 =	vld [tilespmem:s7+$0xFFFFFFD0]  }
0x7d: {  	v14 =	vld [tilespmem:s7+$0xFFFFFFE0]  }
0x7e: {  	v15 =	vld [tilespmem:s7+$0xFFFFFFF0]  }
0x7f: {  	v16 =	vld [tilespmem:s7+$0x0]  }
0x80: {  	[tilespmem:v3+s23+$0x0] =	vst.idx.add.f32.msk $0xffff, v4;
	v4 =	vimm.f32 $0.0e+00  }
0x81: {  	v3 =	vld [tilespmem:s7+$0x10]  }
0x82: {  	v17 =	vld [tilespmem:s7+$0x20]  }
0x83: {  	[tilespmem:v11+s22+$0x0] =	vst.idx.add.f32.msk $0xffff, v12  }
0x84: {  	[tilespmem:v5+s22+$0x0] =	vst.idx.add.f32.msk $0xffff, v13  }
0x85: {  	[tilespmem:v6+s22+$0x0] =	vst.idx.add.f32.msk $0xffff, v14  }
0x86: {  	[tilespmem:v7+s22+$0x0] =	vst.idx.add.f32.msk $0xffff, v15  }
0x87: {  	[tilespmem:v8+s22+$0x0] =	vst.idx.add.f32.msk $0xffff, v16  }
0x88: {  	[tilespmem:v9+s22+$0x0] =	vst.idx.add.f32.msk $0xffff, v3  }
0x89: {  	[tilespmem:v10+s22+$0x0] =	vst.idx.add.f32.msk $0xffff, v17  }
0x8a: {  	v3 =	vld [tilespmem:s14+$0xFFFFFFC0]  }
0x8b: {  	v5 =	vld [tilespmem:s14+$0xFFFFFFD0]  }
0x8c: {  	v6 =	vld [tilespmem:s14+$0xFFFFFFE0]  }
0x8d: {  	v7 =	vld [tilespmem:s14+$0xFFFFFFF0]  }
0x8e: {  	v8 =	vld [tilespmem:s14+$0x0]  }
0x8f: {  	v9 =	vld [tilespmem:s14+$0x10]  }
0x90: {  	v10 =	vld [tilespmem:s14+$0x20]  }
0x91: {  	v11 =	vld [tilespmem:s8+$0xFFFFFFC0]  }
0x92: {  	v12 =	vld [tilespmem:s8+$0xFFFFFFD0]  }
0x93: {  	v13 =	vld [tilespmem:s8+$0xFFFFFFE0]  }
0x94: {  	v14 =	vld [tilespmem:s8+$0xFFFFFFF0]  }
0x95: {  	v15 =	vld [tilespmem:s8+$0x0]  }
0x96: {  	v16 =	vld [tilespmem:s8+$0x10]  }
0x97: {  	v17 =	vld [tilespmem:s8+$0x20]  }
0x98: {  	[tilespmem:v3+s23+$0x0] =	vst.idx.add.f32.msk $0xffff, v11  }
0x99: {  	[tilespmem:v5+s23+$0x0] =	vst.idx.add.f32.msk $0xffff, v12  }
.Ltmp1:
0x9a: {  	[tilespmem:v6+s23+$0x0] =	vst.idx.add.f32.msk $0xffff, v13;
	(pc) =	sbr.rel @p0 .LBB2_5-.Ltmp1, $4  }
0x9b: {  	[tilespmem:v7+s23+$0x0] =	vst.idx.add.f32.msk $0xffff, v14  }
0x9c: {  	[tilespmem:v8+s23+$0x0] =	vst.idx.add.f32.msk $0xffff, v15  }
0x9d: {  	[tilespmem:v9+s23+$0x0] =	vst.idx.add.f32.msk $0xffff, v16  }
0x9e: {  	s10 =	sadd.s32 $0x80, s10;
	[tilespmem:v10+s23+$0x0] =	vst.idx.add.f32.msk $0xffff, v17  }
0x9f: {  	v3 =	vld [tilespmem:s16+$0x30]  }
0xa0: {  	v5 =	vld [tilespmem:s15+$0x30]  }
0xa1: {  	v6 =	vld [tilespmem:s16+$0x20];
	_ =	sdelay $0x1  }
0xa2: {  	v7 =	vld [tilespmem:s15+$0x20]  }
0xa3: {  	v8 =	vld [tilespmem:s16+$0x10]  }
0xa4: {  	v9 =	vld [tilespmem:s15+$0x10];
	vm0 =	vlt.f32 v3, $0.0e+00  }
0xa5: {  	v10 =	vld [tilespmem:s16+$0x0];
	vm1 =	vgt.f32 v3, $0.0e+00;
	vm2 =	vgt.f32 v5, $0.0e+00;
	vm3 =	vlt.f32 v6, $0.0e+00  }
0xa6: {  	v11 =	vld [tilespmem:s15+$0x0];
	vm4 =	vgt.f32 v6, $0.0e+00;
	vm0 =	vmor vm1, vm0;
	vm1 =	vlt.f32 v5, $0.0e+00  }
0xa7: {  	v12 =	vld [tilespmem:s16+$0xFFFFFFF0];
	vm1 =	vmor vm2, vm1;
	(xrf0) =	vmax.scan.msk.u32 vm0, v1;
	vm0 =	vmor vm4, vm3  }
0xa8: {  	v13 =	vld [tilespmem:s15+$0xFFFFFFF0];
	vm2 =	vlt.f32 v7, $0.0e+00;
	vm3 =	vgt.f32 v7, $0.0e+00;
	vm4 =	vgt.f32 v8, $0.0e+00;
	(xrf0) =	vmax.scan.msk.u32 vm1, v1  }
0xa9: {  	v14 =	vld [tilespmem:s16+$0xFFFFFFE0];
	vm1 =	vlt.f32 v8, $0.0e+00;
	vm2 =	vmor vm3, vm2;
	vm3 =	vgt.f32 v9, $0.0e+00;
	(xrf0) =	vmax.scan.msk.u32 vm0, v1  }
0xaa: {  	v15 =	vld [tilespmem:s15+$0xFFFFFFE0];
	vm0 =	vmor vm4, vm1;
	vm1 =	vlt.f32 v9, $0.0e+00;
	vm4 =	vgt.f32 v10, $0.0e+00;
	(xrf0) =	vmax.scan.msk.u32 vm2, v1  }
0xab: {  	vm2 =	vlt.f32 v10, $0.0e+00;
	vm1 =	vmor vm3, vm1;
	vm3 =	vgt.f32 v11, $0.0e+00;
	(xrf0) =	vmax.scan.msk.u32 vm0, v1  }
0xac: {  	v16 =	vld [tilespmem:s16+$0xFFFFFFD0];
	vm0 =	vmor vm4, vm2;
	vm2 =	vlt.f32 v11, $0.0e+00;
	vm4 =	vgt.f32 v12, $0.0e+00;
	(xrf0) =	vmax.scan.msk.u32 vm1, v1  }
0xad: {  	v17 =	vld [tilespmem:s15+$0xFFFFFFD0];
	vm1 =	vlt.f32 v12, $0.0e+00;
	vm2 =	vmor vm3, vm2;
	vm3 =	vgt.f32 v13, $0.0e+00;
	(xrf0) =	vmax.scan.msk.u32 vm0, v1;
	v18, _, _ =	vpop (xrf0)  }
0xae: {  	v19 =	vld [tilespmem:s16+$0xFFFFFFC0];
	vm0 =	vmor vm4, vm1;
	vm1 =	vlt.f32 v13, $0.0e+00;
	vm4 =	vgt.f32 v14, $0.0e+00;
	(xrf0) =	vmax.scan.msk.u32 vm2, v1;
	v20, _, _ =	vpop (xrf0)  }
0xaf: {  	v21 =	vld [tilespmem:s15+$0xFFFFFFC0];
	vm2 =	vlt.f32 v14, $0.0e+00;
	vm1 =	vmor vm3, vm1;
	vm3 =	vgt.f32 v15, $0.0e+00;
	(xrf0) =	vmax.scan.msk.u32 vm0, v1;
	v22, _, _ =	vpop (xrf0)  }
0xb0: {  	v18 =	vperm.xlane v3, v18;
	vm0 =	vmor vm4, vm2;
	vm2 =	vlt.f32 v15, $0.0e+00;
	(xrf0) =	vmax.scan.msk.u32 vm1, v1;
	v23, _, _ =	vpop (xrf0)  }
0xb1: {  	vm4 =	vgt.f32 v16, $0.0e+00;
	vm1 =	vlt.f32 v16, $0.0e+00;
	vm2 =	vmor vm3, vm2;
	(xrf0) =	vmax.scan.msk.u32 vm0, v1;
	v24, _, _ =	vpop (xrf0)  }
0xb2: {  	vm3 =	vgt.f32 v17, $0.0e+00;
	vm0 =	vmor vm4, vm1;
	vm1 =	vlt.f32 v17, $0.0e+00;
	(xrf0) =	vmax.scan.msk.u32 vm2, v1;
	v25, _, _ =	vpop (xrf0)  }
0xb3: {  	vm4 =	vgt.f32 v19, $0.0e+00;
	vm2 =	vlt.f32 v19, $0.0e+00;
	vm1 =	vmor vm3, vm1;
	(xrf0) =	vmax.scan.msk.u32 vm0, v1;
	v26, _, _ =	vpop (xrf0)  }
0xb4: {  	vm3 =	vgt.f32 v21, $0.0e+00;
	vm0 =	vmor vm4, vm2;
	vm2 =	vlt.f32 v21, $0.0e+00;
	(xrf0) =	vmax.scan.msk.u32 vm1, v1;
	v27, _, _ =	vpop (xrf0)  }
0xb5: {  	v5 =	vperm.xlane v5, v20;
	v45 =	vperm.xlane v8, v24;
	vm1 =	vmor vm3, vm2;
	(xrf0) =	vmax.scan.msk.u32 vm0, v1;
	v3, _, _ =	vpop (xrf0)  }
0xb6: {  	v6 =	vperm.xlane v6, v22;
	v23 =	vperm.xlane v7, v23;
	(xrf0) =	vmax.scan.msk.u32 vm1, v1;
	v20, _, _ =	vpop (xrf0)  }
0xb7: {  	v9 =	vperm.xlane v9, v25;
	v46 =	vperm.xlane v10, v26;
	vm2 =	vlt.f32 v45, $0.0e+00;
	v7, _, _ =	vpop (xrf0)  }
0xb8: {  	v47 =	vperm.xlane v11, v27;
	vm0 =	vlt.f32 v18, $0.0e+00;
	v12 =	vperm.xlane v12, v3;
	v8, _, _ =	vpop (xrf0)  }
0xb9: {  	vm1 =	vlt.f32 v6, $0.0e+00;
	vm3 =	vlt.f32 v46, $0.0e+00;
	v10 =	vperm.xlane v14, v7;
	v3, _, _ =	vpop (xrf0)  }
0xba: {  	v14 =	vperm.xlane v13, v20;
	vm4 =	vlt.f32 v12, $0.0e+00;
	v13 =	vperm.xlane v15, v8;
	v7, _, _ =	vpop (xrf0)  }
0xbb: {  	v11 =	vperm.xlane v16, v3;
	vm7 =	vlt.f32 v10, $0.0e+00;
	vm15 =	vgt.f32 v10, $0.0e+00;
	v3, _, _ =	vpop (xrf0)  }
0xbc: {  	vm11 =	vgt.f32 v14, $0.0e+00;
	v8 =	vperm.xlane v17, v7;
	v3 =	vperm.xlane v19, v3;
	v7, _, _ =	vpop (xrf0)  }
0xbd: {  	vm7 =	vmor vm15, vm7;
	vm6 =	vlt.f32 v11, $0.0e+00;
	v7 =	vperm.xlane v21, v7  }
0xbe: {  	vm13 =	vgt.f32 v11, $0.0e+00;
	vm5 =	vlt.f32 v3, $0.0e+00;
	vm8 =	vgt.f32 v3, $0.0e+00  }
0xbf: {  	vm9 =	vlt.f32 v7, $0.0e+00;
	vm10 =	vgt.f32 v7, $0.0e+00;
	vm5 =	vmor vm8, vm5  }
0xc0: {  	vm14 =	vgt.f32 v8, $0.0e+00;
	vm12 =	vmor vm10, vm9;
	v3 =	vsel vm5, v3, v4  }
0xc1: {  	vm6 =	vmor vm13, vm6;
	v4 =	vsel vm12, v7, v4;
	v7 =	vperm.xlane v3, v2  }
0xc2: {  	vm5 =	vlt.f32 v8, $0.0e+00;
	vm9 =	vgt.f32 v13, $0.0e+00;
	v15 =	vperm.xlane v4, v2  }
0xc3: {  	vm10 =	vgt.f32 v12, $0.0e+00;
	vm5 =	vmor vm14, vm5;
	v7 =	vsel vm6, v11, v7  }
0xc4: {  	vm4 =	vmor vm10, vm4;
	v8 =	vsel vm5, v8, v15;
	v11 =	vperm.xlane v7, v2  }
0xc5: {  	vm12 =	vgt.f32 v46, $0.0e+00;
	vm5 =	vlt.f32 v13, $0.0e+00;
	v15 =	vperm.xlane v8, v2  }
0xc6: {  	vm3 =	vmor vm12, vm3;
	vm5 =	vmor vm9, vm5;
	v10 =	vsel vm7, v10, v11  }
0xc7: {  	v62 =	vsub.f32 v3, v4;
	v11 =	vsel vm5, v13, v15;
	v13 =	vperm.xlane v10, v2  }
0xc8: {  	v7 =	vsub.f32 v7, v8;
	vm5 =	vlt.f32 v14, $0.0e+00;
	v15 =	vperm.xlane v11, v2  }
0xc9: {  	vm5 =	vmor vm11, vm5;
	v13 =	vsel vm4, v12, v13;
	vm4 =	vlt.f32 v47, $0.0e+00  }
0xca: {  	[tilespmem:s16+$0x30] =	vst v0;
	v14 =	vsel vm5, v14, v15;
	v12 =	vperm.xlane v13, v2;
	vm5 =	vgt.f32 v47, $0.0e+00  }
0xcb: {  	[tilespmem:s16+$0x20] =	vst v0;
	v10 =	vsub.f32 v10, v11;
	v16 =	vperm.xlane v14, v2;
	vm4 =	vmor vm5, vm4  }
0xcc: {  	[tilespmem:s16+$0x10] =	vst v0;
	vm5 =	vgt.f32 v45, $0.0e+00;
	v59 =	vsub.f32 v13, v14;
	v15 =	vsel vm3, v46, v12  }
0xcd: {  	[tilespmem:s16+$0xFFFFFFD0] =	vst v0;
	vm3 =	vlt.f32 v9, $0.0e+00;
	v16 =	vsel vm4, v47, v16;
	v12 =	vperm.xlane v15, v2  }
0xce: {  	[tilespmem:s16+$0xFFFFFFE0] =	vst v0;
	vm2 =	vmor vm5, vm2;
	vm4 =	vgt.f32 v9, $0.0e+00;
	v17 =	vperm.xlane v16, v2  }
0xcf: {  	s7 =	simm.s32 $0x40C0;
	[tilespmem:s16+$0xFFFFFFC0] =	vst v0;
	vm3 =	vmor vm4, vm3;
	vm4 =	vgt.f32 v6, $0.0e+00;
	v12 =	vsel vm2, v45, v12  }
0xd0: {  	[tilespmem:s16+$0xFFFFFFF0] =	vst v0;
	vm2 =	vlt.f32 v23, $0.0e+00;
	v19 =	vsel vm3, v9, v17;
	v9 =	vld [tilespmem:s7+$0x30];
	v17 =	vperm.xlane v12, v2  }
0xd1: {  	s14 =	simm.s32 $0x4CC0;
	[tilespmem:s16+$0x0] =	vst v0;
	vm1 =	vmor vm4, vm1;
	vm3 =	vgt.f32 v23, $0.0e+00;
	v20 =	vperm.xlane v19, v2  }
0xd2: {  	v48 =	vld [tilespmem:s14+$0x30];
	[tilespmem:s15+$0x30] =	vst v0;
	vm2 =	vmor vm3, vm2;
	vm3 =	vgt.f32 v18, $0.0e+00;
	v6 =	vsel vm1, v6, v17  }
0xd3: {  	[tilespmem:s15+$0x20] =	vst v0;
	vm1 =	vlt.f32 v5, $0.0e+00;
	vm0 =	vmor vm3, vm0;
	v17 =	vsel vm2, v23, v20;
	v20 =	vld [tilespmem:s7+$0x20]  }
0xd4: {  	v50 =	vld [tilespmem:s14+$0x20];
	[tilespmem:s15+$0xFFFFFFD0] =	vst v0;
	v49 =	vperm.xlane v6, v2;
	vm2 =	vgt.f32 v5, $0.0e+00;
	v23 =	vperm.xlane v17, v2  }
0xd5: {  	v51 =	vld [tilespmem:s7+$0x10];
	[tilespmem:s15+$0xFFFFFFE0] =	vst v0;
	v17 =	vsub.f32 v6, v17;
	vm1 =	vmor vm2, vm1;
	vm2 =	vlt.f32 v9, $0.0e+00  }
0xd6: {  	[tilespmem:s15+$0xFFFFFFC0] =	vst v0;
	v6 =	vsel vm0, v18, v49;
	v18 =	vld [tilespmem:s14+$0x10];
	vm0 =	vgt.f32 v9, $0.0e+00;
	v52 =	vsel vm1, v5, v23  }
0xd7: {  	v53 =	vld [tilespmem:s7+$0x0];
	[tilespmem:s15+$0xFFFFFFF0] =	vst v0;
	vm0 =	vmor vm0, vm2;
	vm1 =	vlt.f32 v48, $0.0e+00;
	vm2 =	vgt.f32 v48, $0.0e+00  }
0xd8: {  	v54 =	vld [tilespmem:s14+$0x0];
	vm1 =	vmor vm2, vm1;
	(xrf0) =	vmax.scan.msk.u32 vm0, v1;
	vm3 =	vlt.f32 v20, $0.0e+00;
	vm4 =	vgt.f32 v20, $0.0e+00  }
0xd9: {  	v55 =	vld [tilespmem:s7+$0xFFFFFFF0];
	vm2 =	vlt.f32 v50, $0.0e+00;
	(xrf0) =	vmax.scan.msk.u32 vm1, v1;
	vm0 =	vmor vm4, vm3;
	vm3 =	vgt.f32 v50, $0.0e+00  }
0xda: {  	v28 =	vld [tilespmem:s14+$0xFFFFFFF0];
	vm1 =	vlt.f32 v51, $0.0e+00;
	vm4 =	vgt.f32 v51, $0.0e+00;
	vm2 =	vmor vm3, vm2;
	(xrf0) =	vmax.scan.msk.u32 vm0, v1  }
0xdb: {  	v29 =	vld [tilespmem:s7+$0xFFFFFFE0];
	vm0 =	vmor vm4, vm1;
	vm1 =	vlt.f32 v18, $0.0e+00;
	vm3 =	vgt.f32 v18, $0.0e+00;
	(xrf0) =	vmax.scan.msk.u32 vm2, v1  }
0xdc: {  	v30 =	vld [tilespmem:s14+$0xFFFFFFE0];
	vm4 =	vgt.f32 v53, $0.0e+00;
	vm2 =	vlt.f32 v53, $0.0e+00;
	vm1 =	vmor vm3, vm1;
	(xrf0) =	vmax.scan.msk.u32 vm0, v1  }
0xdd: {  	v31 =	vld [tilespmem:s7+$0xFFFFFFD0];
	vm3 =	vgt.f32 v54, $0.0e+00;
	vm0 =	vmor vm4, vm2;
	vm2 =	vlt.f32 v54, $0.0e+00;
	(xrf0) =	vmax.scan.msk.u32 vm1, v1  }
0xde: {  	v32 =	vld [tilespmem:s14+$0xFFFFFFD0];
	vm4 =	vgt.f32 v55, $0.0e+00;
	vm1 =	vlt.f32 v55, $0.0e+00;
	vm2 =	vmor vm3, vm2;
	v5, _, _ =	vpop (xrf0);
	(xrf0) =	vmax.scan.msk.u32 vm0, v1  }
0xdf: {  	v33 =	vld [tilespmem:s7+$0xFFFFFFC0];
	vm3 =	vgt.f32 v28, $0.0e+00;
	vm0 =	vmor vm4, vm1;
	vm1 =	vlt.f32 v28, $0.0e+00;
	v34, _, _ =	vpop (xrf0);
	(xrf0) =	vmax.scan.msk.u32 vm2, v1  }
0xe0: {  	v35 =	vld [tilespmem:s14+$0xFFFFFFC0];
	vm4 =	vgt.f32 v29, $0.0e+00;
	vm2 =	vlt.f32 v29, $0.0e+00;
	vm1 =	vmor vm3, vm1;
	(xrf0) =	vmax.scan.msk.u32 vm0, v1;
	v36, _, _ =	vpop (xrf0)  }
0xe1: {  	vm3 =	vgt.f32 v30, $0.0e+00;
	vm0 =	vmor vm4, vm2;
	vm2 =	vlt.f32 v30, $0.0e+00;
	(xrf0) =	vmax.scan.msk.u32 vm1, v1;
	v37, _, _ =	vpop (xrf0)  }
0xe2: {  	vm4 =	vgt.f32 v31, $0.0e+00;
	vm1 =	vlt.f32 v31, $0.0e+00;
	vm2 =	vmor vm3, vm2;
	(xrf0) =	vmax.scan.msk.u32 vm0, v1;
	v38, _, _ =	vpop (xrf0)  }
0xe3: {  	vm3 =	vgt.f32 v32, $0.0e+00;
	vm0 =	vmor vm4, vm1;
	vm1 =	vlt.f32 v32, $0.0e+00;
	(xrf0) =	vmax.scan.msk.u32 vm2, v1;
	v39, _, _ =	vpop (xrf0)  }
0xe4: {  	vm4 =	vgt.f32 v33, $0.0e+00;
	vm2 =	vlt.f32 v33, $0.0e+00;
	vm1 =	vmor vm3, vm1;
	(xrf0) =	vmax.scan.msk.u32 vm0, v1;
	v41, _, _ =	vpop (xrf0)  }
0xe5: {  	vm3 =	vgt.f32 v35, $0.0e+00;
	vm0 =	vmor vm4, vm2;
	vm2 =	vlt.f32 v35, $0.0e+00;
	(xrf0) =	vmax.scan.msk.u32 vm1, v1;
	v42, _, _ =	vpop (xrf0)  }
0xe6: {  	v40 =	vperm.xlane v6, v2;
	v43 =	vperm.xlane v52, v2;
	vm1 =	vmor vm3, vm2;
	(xrf0) =	vmax.scan.msk.u32 vm0, v1;
	v44, _, _ =	vpop (xrf0)  }
0xe7: {  	v15 =	vsub.f32 v15, v16;
	v5 =	vperm.xlane v9, v5;
	v9 =	vperm.xlane v20, v36;
	(xrf0) =	vmax.scan.msk.u32 vm1, v1;
	v20, _, _ =	vpop (xrf0)  }
0xe8: {  	[tilespmem:s15+$0x0] =	vst v0;
	v22 =	vsub.f32 v6, v52;
	v6 =	vperm.xlane v48, v34;
	v56 =	vperm.xlane v51, v38;
	v57, _, _ =	vpop (xrf0)  }
0xe9: {  	[tilespmem:s15+$0x10] =	vst v0;
	v19 =	vsub.f32 v12, v19;
	v12 =	vperm.xlane v50, v37;
	v18 =	vperm.xlane v18, v39;
	v58, _, _ =	vpop (xrf0)  }
0xea: {  	[tilespmem:s7+$0xFFFFFFD0] =	vst v0;
	v16 =	vperm.xlane v53, v41;
	vm2 =	vlt.f32 v56, $0.0e+00;
	v26 =	vperm.xlane v54, v42;
	v14, _, _ =	vpop (xrf0)  }
0xeb: {  	[tilespmem:s7+$0xFFFFFFE0] =	vst v0;
	vm0 =	vlt.f32 v5, $0.0e+00;
	v13 =	vperm.xlane v55, v44;
	vm1 =	vlt.f32 v9, $0.0e+00;
	v60, _, _ =	vpop (xrf0)  }
0xec: {  	[tilespmem:s7+$0xFFFFFFC0] =	vst v0;
	vm3 =	vlt.f32 v16, $0.0e+00;
	v20 =	vperm.xlane v28, v20;
	v11 =	vperm.xlane v29, v57;
	v61, _, _ =	vpop (xrf0)  }
0xed: {  	[tilespmem:s7+$0xFFFFFFF0] =	vst v0;
	vm4 =	vlt.f32 v13, $0.0e+00;
	v8 =	vperm.xlane v31, v14;
	v3 =	vperm.xlane v33, v61;
	v4, _, _ =	vpop (xrf0)  }
0xee: {  	[tilespmem:s7+$0x0] =	vst v0;
	v14 =	vperm.xlane v30, v58;
	vm7 =	vlt.f32 v11, $0.0e+00;
	v4 =	vperm.xlane v35, v4  }
0xef: {  	[tilespmem:s14+$0xFFFFFFD0] =	vst v0;
	v63 =	vperm.xlane v32, v60;
	vm6 =	vlt.f32 v8, $0.0e+00;
	vm5 =	vlt.f32 v3, $0.0e+00  }
0xf0: {  	[tilespmem:s14+$0xFFFFFFE0] =	vst v0;
	vm13 =	vgt.f32 v3, $0.0e+00;
	vm14 =	vlt.f32 v4, $0.0e+00;
	vm15 =	vgt.f32 v4, $0.0e+00  }
0xf1: {  	[tilespmem:s14+$0xFFFFFFC0] =	vst v0;
	vm5 =	vmor vm13, vm5;
	vm13 =	vgt.f32 v8, $0.0e+00;
	vm12 =	vmor vm15, vm14  }
0xf2: {  	[tilespmem:s2+$0x0] =	vst v15;
	v3 =	vsel vm5, v3, v40;
	vm5 =	vlt.f32 v63, $0.0e+00;
	v4 =	vsel vm12, v4, v43  }
0xf3: {  	[tilespmem:s2+$0x20] =	vst v17;
	vm14 =	vgt.f32 v63, $0.0e+00;
	v15 =	vperm.xlane v3, v2;
	v17 =	vperm.xlane v4, v2  }
0xf4: {  	[tilespmem:s14+$0xFFFFFFF0] =	vst v0;
	vm6 =	vmor vm13, vm6;
	vm15 =	vgt.f32 v11, $0.0e+00;
	vm5 =	vmor vm14, vm5  }
0xf5: {  	[tilespmem:s2+$0xFFFFFFD0] =	vst v7;
	vm12 =	vgt.f32 v14, $0.0e+00;
	v7 =	vsel vm6, v8, v15;
	v8 =	vsel vm5, v63, v17  }
0xf6: {  	[tilespmem:s14+$0x0] =	vst v0;
	vm5 =	vlt.f32 v14, $0.0e+00;
	v15 =	vperm.xlane v7, v2;
	v17 =	vperm.xlane v8, v2  }
0xf7: {  	[tilespmem:s2+$0xFFFFFFC0] =	vst v62;
	vm13 =	vgt.f32 v13, $0.0e+00;
	vm7 =	vmor vm15, vm7;
	vm5 =	vmor vm12, vm5  }
0xf8: {  	[tilespmem:s2+$0xFFFFFFE0] =	vst v10;
	vm14 =	vgt.f32 v20, $0.0e+00;
	v10 =	vsel vm7, v11, v15;
	v11 =	vsel vm5, v14, v17  }
0xf9: {  	[tilespmem:s2+$0xFFFFFFF0] =	vst v59;
	vm5 =	vlt.f32 v20, $0.0e+00;
	v14 =	vperm.xlane v10, v2;
	v15 =	vperm.xlane v11, v2  }
0xfa: {  	[tilespmem:s7+$0x30] =	vst v0;
	vm4 =	vmor vm13, vm4;
	vm15 =	vgt.f32 v16, $0.0e+00;
	vm5 =	vmor vm14, vm5  }
0xfb: {  	[tilespmem:s14+$0x30] =	vst v0;
	v13 =	vsel vm4, v13, v14;
	vm4 =	vlt.f32 v26, $0.0e+00;
	v14 =	vsel vm5, v20, v15  }
0xfc: {  	[tilespmem:s7+$0x20] =	vst v0;
	v15 =	vperm.xlane v13, v2;
	vm5 =	vgt.f32 v26, $0.0e+00;
	v17 =	vperm.xlane v14, v2  }
0xfd: {  	[tilespmem:s2+$0x10] =	vst v19;
	vm3 =	vmor vm15, vm3;
	vm4 =	vmor vm5, vm4;
	vm5 =	vgt.f32 v56, $0.0e+00  }
0xfe: {  	[tilespmem:s14+$0x20] =	vst v0;
	v15 =	vsel vm3, v16, v15;
	vm3 =	vlt.f32 v18, $0.0e+00;
	v16 =	vsel vm4, v26, v17  }
0xff: {  	[tilespmem:s7+$0x10] =	vst v0;
	v17 =	vperm.xlane v15, v2;
	vm4 =	vgt.f32 v18, $0.0e+00;
	v19 =	vperm.xlane v16, v2  }
0x100: {  	[tilespmem:s14+$0x10] =	vst v0;
	vm5 =	vmor vm5, vm2;
	vm2 =	vgt.f32 v9, $0.0e+00;
	vm3 =	vmor vm4, vm3  }
0x101: {  	s16 =	simm.s32 $0x4140;
	s15 =	simm.s32 $0x80;
	[tilespmem:s2+$0x30] =	vst v22;
	v17 =	vsel vm5, v56, v17;
	v18 =	vsel vm3, v18, v19;
	vm3 =	vlt.f32 v12, $0.0e+00  }
.LBB2_7:
0x102: {  	v21 =	vld [tilespmem:s16+$0x30];
	v19 =	vperm.xlane v17, v2;
	v20 =	vperm.xlane v18, v2;
	vm4 =	vgt.f32 v12, $0.0e+00  }
0x103: {  	vm1 =	vmor vm2, vm1;
	s14 =	sadd.s32 $0x80, s14;
	vm2 =	vmor vm4, vm3;
	vm3 =	vgt.f32 v5, $0.0e+00  }
0x104: {  	v22 =	vld [tilespmem:s14+$0x30];
	[tilespmem:s16+$0x30] =	vst v0;
	v9 =	vsel vm1, v9, v19;
	v12 =	vsel vm2, v12, v20;
	vm1 =	vlt.f32 v6, $0.0e+00  }
0x105: {  	vm2 =	vgt.f32 v6, $0.0e+00;
	v23 =	vld [tilespmem:s16+$0x20];
	[tilespmem:s14+$0x30] =	vst v0;
	v19 =	vperm.xlane v9, v2;
	v20 =	vperm.xlane v12, v2  }
0x106: {  	vm0 =	vmor vm3, vm0;
	v9 =	vsub.f32 v9, v12;
	vm1 =	vmor vm2, vm1;
	v24 =	vld [tilespmem:s14+$0x20];
	[tilespmem:s16+$0x20] =	vst v0  }
0x107: {  	s2 =	sadd.s32 $0x80, s2;
	v12 =	vld [tilespmem:s16+$0x10];
	[tilespmem:s14+$0x20] =	vst v0;
	vm2 =	vlt.f32 v21, $0.0e+00;
	v25 =	vsel vm0, v5, v19;
	v6 =	vsel vm1, v6, v20  }
0x108: {  	vm0 =	vgt.f32 v21, $0.0e+00;
	v26 =	vld [tilespmem:s14+$0x10];
	[tilespmem:s2+$0x20] =	vst v9;
	v19 =	vperm.xlane v25, v2;
	v20 =	vperm.xlane v6, v2  }
0x109: {  	vm0 =	vmor vm0, vm2;
	v27 =	vld [tilespmem:s16+$0x0];
	[tilespmem:s16+$0x10] =	vst v0;
	vm1 =	vlt.f32 v22, $0.0e+00;
	vm2 =	vgt.f32 v22, $0.0e+00  }
0x10a: {  	v28 =	vld [tilespmem:s14+$0x0];
	vm3 =	vlt.f32 v23, $0.0e+00;
	vm4 =	vgt.f32 v23, $0.0e+00;
	vm1 =	vmor vm2, vm1;
	(xrf0) =	vmax.scan.msk.u32 vm0, v1  }
0x10b: {  	v29 =	vld [tilespmem:s16+$0xFFFFFFF0];
	vm0 =	vmor vm4, vm3;
	vm2 =	vlt.f32 v24, $0.0e+00;
	vm3 =	vgt.f32 v24, $0.0e+00;
	(xrf0) =	vmax.scan.msk.u32 vm1, v1  }
0x10c: {  	v30 =	vld [tilespmem:s14+$0xFFFFFFF0];
	vm1 =	vlt.f32 v12, $0.0e+00;
	vm4 =	vgt.f32 v12, $0.0e+00;
	vm2 =	vmor vm3, vm2;
	(xrf0) =	vmax.scan.msk.u32 vm0, v1  }
0x10d: {  	v31 =	vld [tilespmem:s16+$0xFFFFFFE0];
	vm0 =	vmor vm4, vm1;
	vm1 =	vlt.f32 v26, $0.0e+00;
	vm3 =	vgt.f32 v26, $0.0e+00;
	(xrf0) =	vmax.scan.msk.u32 vm2, v1  }
0x10e: {  	v32 =	vld [tilespmem:s14+$0xFFFFFFE0];
	vm2 =	vlt.f32 v27, $0.0e+00;
	vm4 =	vgt.f32 v27, $0.0e+00;
	vm1 =	vmor vm3, vm1;
	(xrf0) =	vmax.scan.msk.u32 vm0, v1  }
0x10f: {  	v33 =	vld [tilespmem:s16+$0xFFFFFFD0];
	vm0 =	vmor vm4, vm2;
	vm2 =	vlt.f32 v28, $0.0e+00;
	vm3 =	vgt.f32 v28, $0.0e+00;
	(xrf0) =	vmax.scan.msk.u32 vm1, v1  }
0x110: {  	v34 =	vld [tilespmem:s14+$0xFFFFFFD0];
	vm1 =	vlt.f32 v29, $0.0e+00;
	vm4 =	vgt.f32 v29, $0.0e+00;
	vm2 =	vmor vm3, vm2;
	(xrf0) =	vmax.scan.msk.u32 vm0, v1;
	v5, _, _ =	vpop (xrf0)  }
0x111: {  	s15 =	sadd.s32 $0x80, s15;
	v35 =	vld [tilespmem:s16+$0xFFFFFFC0];
	vm0 =	vmor vm4, vm1;
	vm1 =	vlt.f32 v30, $0.0e+00;
	vm3 =	vgt.f32 v30, $0.0e+00;
	(xrf0) =	vmax.scan.msk.u32 vm2, v1;
	v36, _, _ =	vpop (xrf0)  }
0x112: {  	p0 =	slt.u32 s15, $0xB80;
	v37 =	vld [tilespmem:s14+$0xFFFFFFC0];
	vm2 =	vlt.f32 v31, $0.0e+00;
	vm4 =	vgt.f32 v31, $0.0e+00;
	vm1 =	vmor vm3, vm1;
	(xrf0) =	vmax.scan.msk.u32 vm0, v1;
	v9, _, _ =	vpop (xrf0)  }
0x113: {  	vm0 =	vmor vm4, vm2;
	vm2 =	vlt.f32 v32, $0.0e+00;
	vm3 =	vgt.f32 v32, $0.0e+00;
	(xrf0) =	vmax.scan.msk.u32 vm1, v1;
	v38, _, _ =	vpop (xrf0)  }
0x114: {  	vm1 =	vlt.f32 v33, $0.0e+00;
	vm4 =	vgt.f32 v33, $0.0e+00;
	vm2 =	vmor vm3, vm2;
	(xrf0) =	vmax.scan.msk.u32 vm0, v1;
	v39, _, _ =	vpop (xrf0)  }
0x115: {  	vm0 =	vmor vm4, vm1;
	vm1 =	vlt.f32 v34, $0.0e+00;
	vm3 =	vgt.f32 v34, $0.0e+00;
	(xrf0) =	vmax.scan.msk.u32 vm2, v1;
	v40, _, _ =	vpop (xrf0)  }
0x116: {  	vm2 =	vlt.f32 v35, $0.0e+00;
	vm4 =	vgt.f32 v35, $0.0e+00;
	vm1 =	vmor vm3, vm1;
	(xrf0) =	vmax.scan.msk.u32 vm0, v1;
	v41, _, _ =	vpop (xrf0)  }
0x117: {  	vm0 =	vmor vm4, vm2;
	vm2 =	vlt.f32 v37, $0.0e+00;
	vm3 =	vgt.f32 v37, $0.0e+00;
	(xrf0) =	vmax.scan.msk.u32 vm1, v1;
	v42, _, _ =	vpop (xrf0)  }
0x118: {  	v43 =	vsub.f32 v25, v6;
	v5 =	vperm.xlane v21, v5;
	vm1 =	vmor vm3, vm2;
	(xrf0) =	vmax.scan.msk.u32 vm0, v1;
	v21, _, _ =	vpop (xrf0)  }
0x119: {  	v17 =	vsub.f32 v17, v18;
	v6 =	vperm.xlane v22, v36;
	v9 =	vperm.xlane v23, v9;
	(xrf0) =	vmax.scan.msk.u32 vm1, v1;
	v22, _, _ =	vpop (xrf0)  }
0x11a: {  	v15 =	vsub.f32 v15, v16;
	v18 =	vperm.xlane v12, v39;
	v12 =	vperm.xlane v24, v38;
	v23, _, _ =	vpop (xrf0);
	[tilespmem:s2+$0x30] =	vst v43  }
0x11b: {  	v13 =	vsub.f32 v13, v14;
	v24 =	vperm.xlane v26, v40;
	v16 =	vperm.xlane v27, v41;
	v25, _, _ =	vpop (xrf0);
	[tilespmem:s2+$0x10] =	vst v17  }
0x11c: {  	v10 =	vsub.f32 v10, v11;
	v14 =	vperm.xlane v29, v21;
	v17 =	vperm.xlane v28, v42;
	v21, _, _ =	vpop (xrf0);
	[tilespmem:s2+$0x0] =	vst v15  }
0x11d: {  	v7 =	vsub.f32 v7, v8;
	v11 =	vperm.xlane v31, v23;
	v15 =	vperm.xlane v30, v22;
	[tilespmem:s16+$0xFFFFFFD0] =	vst v0;
	v22, _, _ =	vpop (xrf0)  }
0x11e: {  	v8 =	vperm.xlane v33, v21;
	v21 =	vperm.xlane v32, v25;
	v25 =	vsub.f32 v3, v4;
	[tilespmem:s14+$0xFFFFFFD0] =	vst v0;
	v23, _, _ =	vpop (xrf0)  }
0x11f: {  	v22 =	vperm.xlane v34, v22;
	v3 =	vperm.xlane v35, v23;
	v4, _, _ =	vpop (xrf0);
	[tilespmem:s2+$0xFFFFFFD0] =	vst v7  }
0x120: {  	vm0 =	vlt.f32 v5, $0.0e+00;
	vm1 =	vlt.f32 v9, $0.0e+00;
	v4 =	vperm.xlane v37, v4;
	[tilespmem:s16+$0xFFFFFFE0] =	vst v0  }
0x121: {  	vm2 =	vlt.f32 v18, $0.0e+00;
	vm3 =	vlt.f32 v16, $0.0e+00;
	vm4 =	vlt.f32 v14, $0.0e+00;
	[tilespmem:s14+$0xFFFFFFE0] =	vst v0  }
0x122: {  	vm5 =	vlt.f32 v11, $0.0e+00;
	vm7 =	vlt.f32 v8, $0.0e+00;
	vm6 =	vlt.f32 v3, $0.0e+00;
	[tilespmem:s2+$0xFFFFFFE0] =	vst v10  }
0x123: {  	vm8 =	vgt.f32 v3, $0.0e+00;
	vm9 =	vlt.f32 v4, $0.0e+00;
	vm10 =	vgt.f32 v4, $0.0e+00;
	[tilespmem:s16+$0xFFFFFFC0] =	vst v0  }
0x124: {  	vm6 =	vmor vm8, vm6;
	vm8 =	vmor vm10, vm9;
	vm9 =	vgt.f32 v8, $0.0e+00;
	[tilespmem:s14+$0xFFFFFFC0] =	vst v0  }
0x125: {  	v3 =	vsel vm6, v3, v19;
	vm6 =	vlt.f32 v22, $0.0e+00;
	v4 =	vsel vm8, v4, v20;
	[tilespmem:s16+$0xFFFFFFF0] =	vst v0  }
0x126: {  	v7 =	vperm.xlane v3, v2;
	vm8 =	vgt.f32 v22, $0.0e+00;
	v10 =	vperm.xlane v4, v2;
	[tilespmem:s2+$0xFFFFFFC0] =	vst v25  }
0x127: {  	vm7 =	vmor vm9, vm7;
	vm6 =	vmor vm8, vm6;
	vm8 =	vgt.f32 v11, $0.0e+00;
	[tilespmem:s14+$0xFFFFFFF0] =	vst v0  }
0x128: {  	v7 =	vsel vm7, v8, v7;
	v8 =	vsel vm6, v22, v10;
	vm6 =	vlt.f32 v21, $0.0e+00;
	[tilespmem:s2+$0xFFFFFFF0] =	vst v13  }
0x129: {  	vm7 =	vgt.f32 v21, $0.0e+00;
	v10 =	vperm.xlane v7, v2;
	v13 =	vperm.xlane v8, v2;
	[tilespmem:s16+$0x0] =	vst v0  }
0x12a: {  	vm5 =	vmor vm8, vm5;
	vm6 =	vmor vm7, vm6;
	vm7 =	vgt.f32 v14, $0.0e+00;
	[tilespmem:s14+$0x0] =	vst v0  }
0x12b: {  	v10 =	vsel vm5, v11, v10;
	vm5 =	vlt.f32 v15, $0.0e+00;
	v11 =	vsel vm6, v21, v13;
	[tilespmem:s14+$0x10] =	vst v0  }
0x12c: {  	v13 =	vperm.xlane v10, v2;
	vm6 =	vgt.f32 v15, $0.0e+00;
	v19 =	vperm.xlane v11, v2  }
0x12d: {  	vm4 =	vmor vm7, vm4;
	vm5 =	vmor vm6, vm5;
	vm6 =	vgt.f32 v16, $0.0e+00  }
0x12e: {  	v13 =	vsel vm4, v14, v13;
	vm4 =	vlt.f32 v17, $0.0e+00;
	v14 =	vsel vm5, v15, v19  }
0x12f: {  	v15 =	vperm.xlane v13, v2;
	vm5 =	vgt.f32 v17, $0.0e+00;
	v19 =	vperm.xlane v14, v2  }
.Ltmp2:
0x130: {  	vm3 =	vmor vm6, vm3;
	vm4 =	vmor vm5, vm4;
	vm5 =	vgt.f32 v18, $0.0e+00;
	(pc) =	sbr.rel @p0 .LBB2_7-.Ltmp2, $4  }
0x131: {  	v15 =	vsel vm3, v16, v15;
	vm3 =	vlt.f32 v24, $0.0e+00;
	v16 =	vsel vm4, v17, v19  }
0x132: {  	v17 =	vperm.xlane v15, v2;
	vm4 =	vgt.f32 v24, $0.0e+00;
	v19 =	vperm.xlane v16, v2  }
0x133: {  	vm5 =	vmor vm5, vm2;
	vm2 =	vgt.f32 v9, $0.0e+00;
	vm3 =	vmor vm4, vm3  }
0x134: {  	s16 =	sadd.s32 $0x80, s16;
	v17 =	vsel vm5, v18, v17;
	v18 =	vsel vm3, v24, v19;
	vm3 =	vlt.f32 v12, $0.0e+00  }
0x135: {  	v19 =	vperm.xlane v17, v2;
	v20 =	vperm.xlane v18, v2  }
0x136: {  	vm4 =	vgt.f32 v12, $0.0e+00;
	vm1 =	vmor vm2, vm1;
	v33 =	vsub.f32 v17, v18  }
0x137: {  	vm13 =	vgt.f32 v5, $0.0e+00;
	vm14 =	vlt.f32 v6, $0.0e+00;
	s2 =	sadd.s32 $0x80, s2;
	v34 =	vsub.f32 v15, v16  }
0x138: {  	vm15 =	vgt.f32 v6, $0.0e+00;
	v35 =	vsub.f32 v7, v8;
	vm12 =	vmor vm4, vm3;
	[tilespmem:s2+$0x10] =	vst v33  }
0x139: {  	v36 =	vsub.f32 v10, v11;
	v9 =	vsel vm1, v9, v19;
	v30 =	vsel vm12, v12, v20;
	[tilespmem:s2+$0x0] =	vst v34  }
0x13a: {  	v3 =	vsub.f32 v3, v4;
	[tilespmem:s2+$0xFFFFFFD0] =	vst v35;
	v19 =	vperm.xlane v9, v2;
	v20 =	vperm.xlane v30, v2  }
0x13b: {  	s30 =	smul.u32 $0x6000, s30;
	v37 =	vsub.f32 v13, v14;
	vm0 =	vmor vm13, vm0;
	vm1 =	vmor vm15, vm14;
	[tilespmem:s2+$0xFFFFFFE0] =	vst v36  }
0x13c: {  	[tilespmem:s2+$0xFFFFFFC0] =	vst v3;
	v9 =	vsub.f32 v9, v30;
	v31 =	vsel vm0, v5, v19;
	v32 =	vsel vm1, v6, v20  }
0x13d: {  	s0 =	sor.u32 s0, s30;
	[tilespmem:s2+$0xFFFFFFF0] =	vst v37;
	v5 =	vsub.f32 v31, v32  }
0x13e: {  	s0 =	sshrl.u32 s0, $0x3;
	[tilespmem:s2+$0x20] =	vst v9  }
0x13f: {  	s0 =	sadd.s32 s6, s0;
	[tilespmem:s2+$0x30] =	vst v5  }
0x140: {  	[hbm4b:s0+s12] =	stream.strided.scatter [tilespmem:s24], [sflag:$0x2], $0xC00, s13, s12, $0x38;
	[tilespmem:$0x7000] =	vst v63  }
0x141: {  	_ =	swait.ge [sflag:s17], $0x800  }
0x142: {  	[sflag:s17] =	ssyncset.done $0x0  }
0x143: {  	[sflag:s17] =	ssyncadd.s32 $0xFFFFF800  }
0x144: {  	_ =	swait.ge [sflag:s17], $0x800  }
0x145: {  	p0 =	seq.s32 s28, $0xF;
	[sflag:s17] =	ssyncset.done $0x0  }
0x146: {  	s8 =	simm.s32 @!p0 $0x80;
	[sflag:s17] =	ssyncadd.s32 $0xFFFFF800  }
0x147: {  	s9 =	simm.s32 @!p0 $0x400;
	s0 =	sadd.s32 @!p0 $0x2, s31;
	_ =	swait.ge [sflag:s17], $0x800  }
0x148: {  	s2 =	sshll.u32 @!p0 s0, $0xB;
	s0 =	sshll.u32 @!p0 s0, $0x7;
	[sflag:s17] =	ssyncset.done $0x0  }
0x149: {  	s2 =	sand.u32 @!p0 $0x7FFFC000, s2;
	s0 =	sand.u32 @!p0 $0x300, s0;
	[sflag:s17] =	ssyncadd.s32 $0xFFFFF800  }
0x14a: {  	s10 =	simm.s32 @!p0 $0x0;
	s0 =	sor.u32 @!p0 s0, s2;
	_ =	swait.ge [sflag:s17], $0x800  }
0x14b: {  	s2 =	sshrl.u32 @!p0 s0, $0x3;
	s0 =	sadd.s32 @!p0 $0x200000, s0;
	[sflag:s17] =	ssyncset.done $0x0  }
0x14c: {  	s7 =	sadd.s32 @!p0 s1, s2;
	s0 =	sshrl.u32 @!p0 s0, $0x3;
	[sflag:s17] =	ssyncadd.s32 $0xFFFFF800  }
0x14d: {  	[tilespmem:s10], [sflag:$0x1] =	stream.strided.gather @!p0 [hbm4b:s7+s8], $0x800, s9, s8, $0x38;
	[tilespmem:$0x7000] =	vst v63  }
0x14e: {  	s7 =	sadd.s32 @!p0 s1, s0;
	s10 =	simm.s32 @!p0 $0x800  }
0x14f: {  	[tilespmem:s10], [sflag:$0x1] =	stream.strided.gather @!p0 [hbm4b:s7+s8], $0x800, s9, s8, $0x38;
	[tilespmem:$0x7000] =	vst v63  }
0x150: {  	s2 =	sadd.s32 @!p0 s3, s2;
	s7 =	simm.s32 @!p0 $0x1000  }
0x151: {  	[tilespmem:s7], [sflag:$0x1] =	stream.strided.gather @!p0 [hbm4b:s2+s8], $0x800, s9, s8, $0x38;
	[tilespmem:$0x7000] =	vst v63  }
0x152: {  	p1 =	seq.s32 @!p0 s28, $0x0;
	s0 =	sadd.s32 @!p0 s3, s0;
	s2 =	simm.s32 @!p0 $0x1800  }
0x153: {  	[tilespmem:s2], [sflag:$0x1] =	stream.strided.gather @!p0 [hbm4b:s0+s8], $0x800, s9, s8, $0x38;
	[tilespmem:$0x7000] =	vst v63  }
0x154: {  	p0 =	por p0, !p1  }
0x155: {  	_ =	swait.ge @p0 [sflag:s26], $0xC00  }
0x156: {  	[sflag:s26] =	ssyncset.done @p0 $0x0  }
0x157: {  	s31 =	simm.s32 $0x3040;
	[sflag:s26] =	ssyncadd.s32 @p0 $0xFFFFF400  }
0x158: {  	v3 =	vld [tilespmem:s31+$0x30]  }
0x159: {  	v38 =	vld [tilespmem:s31+$0xFFFFFFD0]  }
0x15a: {  	s2 =	simm.s32 $0x2040;
	v39 =	vld [tilespmem:s31+$0xFFFFFFE0]  }
0x15b: {  	v40 =	vld [tilespmem:s2+$0x30]  }
0x15c: {  	v41 =	vld [tilespmem:s31+$0xFFFFFFF0]  }
0x15d: {  	v42 =	vld [tilespmem:s31+$0x0]  }
0x15e: {  	v43 =	vld [tilespmem:s31+$0x10]  }
0x15f: {  	v44 =	vld [tilespmem:s31+$0x20]  }
0x160: {  	v45 =	vld [tilespmem:s31+$0xFFFFFFC0]  }
0x161: {  	v46 =	vld [tilespmem:s2+$0xFFFFFFC0]  }
0x162: {  	v48 =	vld [tilespmem:s2+$0xFFFFFFD0]  }
0x163: {  	v49 =	vld [tilespmem:s2+$0xFFFFFFE0]  }
0x164: {  	v50 =	vld [tilespmem:s2+$0xFFFFFFF0]  }
0x165: {  	v51 =	vld [tilespmem:s2+$0x0]  }
0x166: {  	v52 =	vld [tilespmem:s2+$0x20]  }
0x167: {  	[tilespmem:v3+s22+$0x0] =	vst.idx.add.f32.msk $0xffff, v40  }
0x168: {  	[tilespmem:v45+s22+$0x0] =	vst.idx.add.f32.msk $0xffff, v46  }
0x169: {  	[tilespmem:v38+s22+$0x0] =	vst.idx.add.f32.msk $0xffff, v48  }
0x16a: {  	[tilespmem:v39+s22+$0x0] =	vst.idx.add.f32.msk $0xffff, v49  }
0x16b: {  	[tilespmem:v41+s22+$0x0] =	vst.idx.add.f32.msk $0xffff, v50  }
0x16c: {  	[tilespmem:v42+s22+$0x0] =	vst.idx.add.f32.msk $0xffff, v51  }
0x16d: {  	s7 =	simm.s32 $0x3840;
	[tilespmem:v44+s22+$0x0] =	vst.idx.add.f32.msk $0xffff, v52  }
0x16e: {  	s16 =	simm.s32 $0x2840;
	v3 =	vld [tilespmem:s7+$0x30]  }
0x16f: {  	v47 =	vld [tilespmem:s16+$0x30]  }
0x170: {  	v4 =	vld [tilespmem:s7+$0xFFFFFFD0]  }
0x171: {  	v5 =	vld [tilespmem:s7+$0xFFFFFFE0]  }
0x172: {  	v53 =	vld [tilespmem:s7+$0xFFFFFFF0]  }
0x173: {  	v54 =	vld [tilespmem:s7+$0x0]  }
0x174: {  	v56 =	vld [tilespmem:s7+$0x20]  }
0x175: {  	v57 =	vld [tilespmem:s16+$0xFFFFFFC0]  }
0x176: {  	v58 =	vld [tilespmem:s16+$0xFFFFFFD0]  }
0x177: {  	[tilespmem:v3+s23+$0x0] =	vst.idx.add.f32.msk $0xffff, v47  }
0x178: {  	v3 =	vld [tilespmem:s2+$0x10]  }
0x179: {  	v59 =	vld [tilespmem:s16+$0xFFFFFFE0]  }
0x17a: {  	v60 =	vld [tilespmem:s16+$0xFFFFFFF0]  }
0x17b: {  	v61 =	vld [tilespmem:s16+$0x0]  }
0x17c: {  	v63 =	vld [tilespmem:s16+$0x20]  }
0x17d: {  	[tilespmem:v43+s22+$0x0] =	vst.idx.add.f32.msk $0xffff, v3  }
0x17e: {  	v3 =	vld [tilespmem:s7+$0xFFFFFFC0]  }
0x17f: {  	v55 =	vld [tilespmem:s7+$0x10]  }
0x180: {  	[tilespmem:v4+s23+$0x0] =	vst.idx.add.f32.msk $0xffff, v58  }
0x181: {  	[tilespmem:v5+s23+$0x0] =	vst.idx.add.f32.msk $0xffff, v59  }
0x182: {  	v62 =	vld [tilespmem:s16+$0x10]  }
0x183: {  	[tilespmem:v53+s23+$0x0] =	vst.idx.add.f32.msk $0xffff, v60  }
0x184: {  	[tilespmem:v54+s23+$0x0] =	vst.idx.add.f32.msk $0xffff, v61  }
0x185: {  	[tilespmem:v56+s23+$0x0] =	vst.idx.add.f32.msk $0xffff, v63  }
0x186: {  	s28 =	sadd.s32 $0x1, s28;
	[tilespmem:v3+s23+$0x0] =	vst.idx.add.f32.msk $0xffff, v57  }
0x187: {  	s8 =	simm.s32 $0x0;
	s0 =	simm.s32 $0x6440;
	s9 =	simm.s32 $0x30C0;
	[tilespmem:v55+s23+$0x0] =	vst.idx.add.f32.msk $0xffff, v62  }
.LBB2_9:
0x188: {  	v3 =	vld [tilespmem:s9+$0x30];
	s8 =	sadd.s32 $0x80, s8  }
0x189: {  	v5 =	vld [tilespmem:s9+$0xFFFFFFD0];
	p0 =	slt.u32 s8, $0x780  }
0x18a: {  	s2 =	sadd.s32 $0x80, s2;
	v6 =	vld [tilespmem:s9+$0xFFFFFFE0]  }
0x18b: {  	v4 =	vld [tilespmem:s2+$0x30]  }
0x18c: {  	v7 =	vld [tilespmem:s9+$0xFFFFFFF0]  }
0x18d: {  	v8 =	vld [tilespmem:s9+$0x0]  }
0x18e: {  	v9 =	vld [tilespmem:s9+$0x10]  }
0x18f: {  	v10 =	vld [tilespmem:s9+$0x20]  }
0x190: {  	s7 =	sadd.s32 $0x80, s7;
	[tilespmem:v3+s22+$0x0] =	vst.idx.add.f32.msk $0xffff, v4  }
0x191: {  	v3 =	vld [tilespmem:s7+$0x30]  }
0x192: {  	v11 =	vld [tilespmem:s9+$0xFFFFFFC0]  }
0x193: {  	s16 =	sadd.s32 $0x80, s16;
	v12 =	vld [tilespmem:s2+$0xFFFFFFC0]  }
0x194: {  	v4 =	vld [tilespmem:s16+$0x30]  }
0x195: {  	v13 =	vld [tilespmem:s2+$0xFFFFFFD0]  }
0x196: {  	v14 =	vld [tilespmem:s2+$0xFFFFFFE0]  }
0x197: {  	v15 =	vld [tilespmem:s2+$0xFFFFFFF0]  }
0x198: {  	v16 =	vld [tilespmem:s2+$0x0]  }
0x199: {  	s15 =	simm.s32 $0x4040;
	s14 =	simm.s32 $0x4C40;
	[tilespmem:v3+s23+$0x0] =	vst.idx.add.f32.msk $0xffff, v4;
	v4 =	vimm.f32 $0.0e+00  }
0x19a: {  	v3 =	vld [tilespmem:s2+$0x10]  }
0x19b: {  	v17 =	vld [tilespmem:s2+$0x20]  }
0x19c: {  	[tilespmem:v11+s22+$0x0] =	vst.idx.add.f32.msk $0xffff, v12  }
0x19d: {  	[tilespmem:v5+s22+$0x0] =	vst.idx.add.f32.msk $0xffff, v13  }
0x19e: {  	[tilespmem:v6+s22+$0x0] =	vst.idx.add.f32.msk $0xffff, v14  }
0x19f: {  	[tilespmem:v7+s22+$0x0] =	vst.idx.add.f32.msk $0xffff, v15  }
0x1a0: {  	[tilespmem:v8+s22+$0x0] =	vst.idx.add.f32.msk $0xffff, v16  }
0x1a1: {  	[tilespmem:v9+s22+$0x0] =	vst.idx.add.f32.msk $0xffff, v3  }
0x1a2: {  	[tilespmem:v10+s22+$0x0] =	vst.idx.add.f32.msk $0xffff, v17  }
0x1a3: {  	v3 =	vld [tilespmem:s7+$0xFFFFFFC0]  }
0x1a4: {  	v5 =	vld [tilespmem:s7+$0xFFFFFFD0]  }
0x1a5: {  	v6 =	vld [tilespmem:s7+$0xFFFFFFE0]  }
0x1a6: {  	v7 =	vld [tilespmem:s7+$0xFFFFFFF0]  }
0x1a7: {  	v8 =	vld [tilespmem:s7+$0x0]  }
0x1a8: {  	v9 =	vld [tilespmem:s7+$0x10]  }
0x1a9: {  	v10 =	vld [tilespmem:s7+$0x20]  }
0x1aa: {  	v11 =	vld [tilespmem:s16+$0xFFFFFFC0]  }
0x1ab: {  	v12 =	vld [tilespmem:s16+$0xFFFFFFD0]  }
0x1ac: {  	v13 =	vld [tilespmem:s16+$0xFFFFFFE0]  }
0x1ad: {  	v14 =	vld [tilespmem:s16+$0xFFFFFFF0]  }
0x1ae: {  	v15 =	vld [tilespmem:s16+$0x0]  }
0x1af: {  	v16 =	vld [tilespmem:s16+$0x10]  }
0x1b0: {  	v17 =	vld [tilespmem:s16+$0x20]  }
0x1b1: {  	[tilespmem:v3+s23+$0x0] =	vst.idx.add.f32.msk $0xffff, v11  }
0x1b2: {  	[tilespmem:v5+s23+$0x0] =	vst.idx.add.f32.msk $0xffff, v12  }
.Ltmp3:
0x1b3: {  	[tilespmem:v6+s23+$0x0] =	vst.idx.add.f32.msk $0xffff, v13;
	(pc) =	sbr.rel @p0 .LBB2_9-.Ltmp3, $4  }
0x1b4: {  	[tilespmem:v7+s23+$0x0] =	vst.idx.add.f32.msk $0xffff, v14  }
0x1b5: {  	[tilespmem:v8+s23+$0x0] =	vst.idx.add.f32.msk $0xffff, v15  }
0x1b6: {  	[tilespmem:v9+s23+$0x0] =	vst.idx.add.f32.msk $0xffff, v16  }
0x1b7: {  	s9 =	sadd.s32 $0x80, s9;
	[tilespmem:v10+s23+$0x0] =	vst.idx.add.f32.msk $0xffff, v17  }
0x1b8: {  	v3 =	vld [tilespmem:s15+$0x30]  }
0x1b9: {  	v5 =	vld [tilespmem:s14+$0x30]  }
0x1ba: {  	v6 =	vld [tilespmem:s15+$0x20];
	_ =	sdelay $0x1  }
0x1bb: {  	v7 =	vld [tilespmem:s14+$0x20]  }
0x1bc: {  	v8 =	vld [tilespmem:s15+$0x10]  }
0x1bd: {  	v9 =	vld [tilespmem:s14+$0x10];
	vm0 =	vlt.f32 v3, $0.0e+00  }
0x1be: {  	v10 =	vld [tilespmem:s15+$0x0];
	vm1 =	vgt.f32 v3, $0.0e+00;
	vm2 =	vgt.f32 v5, $0.0e+00;
	vm3 =	vlt.f32 v6, $0.0e+00  }
0x1bf: {  	v11 =	vld [tilespmem:s14+$0x0];
	vm4 =	vgt.f32 v6, $0.0e+00;
	vm0 =	vmor vm1, vm0;
	vm1 =	vlt.f32 v5, $0.0e+00  }
0x1c0: {  	v12 =	vld [tilespmem:s15+$0xFFFFFFF0];
	vm1 =	vmor vm2, vm1;
	(xrf0) =	vmax.scan.msk.u32 vm0, v1;
	vm0 =	vmor vm4, vm3  }
0x1c1: {  	v13 =	vld [tilespmem:s14+$0xFFFFFFF0];
	vm2 =	vlt.f32 v7, $0.0e+00;
	vm3 =	vgt.f32 v7, $0.0e+00;
	vm4 =	vgt.f32 v8, $0.0e+00;
	(xrf0) =	vmax.scan.msk.u32 vm1, v1  }
0x1c2: {  	v14 =	vld [tilespmem:s15+$0xFFFFFFE0];
	vm1 =	vlt.f32 v8, $0.0e+00;
	vm2 =	vmor vm3, vm2;
	vm3 =	vgt.f32 v9, $0.0e+00;
	(xrf0) =	vmax.scan.msk.u32 vm0, v1  }
0x1c3: {  	v15 =	vld [tilespmem:s14+$0xFFFFFFE0];
	vm0 =	vmor vm4, vm1;
	vm1 =	vlt.f32 v9, $0.0e+00;
	vm4 =	vgt.f32 v10, $0.0e+00;
	(xrf0) =	vmax.scan.msk.u32 vm2, v1  }
0x1c4: {  	vm2 =	vlt.f32 v10, $0.0e+00;
	vm1 =	vmor vm3, vm1;
	vm3 =	vgt.f32 v11, $0.0e+00;
	(xrf0) =	vmax.scan.msk.u32 vm0, v1  }
0x1c5: {  	v16 =	vld [tilespmem:s15+$0xFFFFFFD0];
	vm0 =	vmor vm4, vm2;
	vm2 =	vlt.f32 v11, $0.0e+00;
	vm4 =	vgt.f32 v12, $0.0e+00;
	(xrf0) =	vmax.scan.msk.u32 vm1, v1  }
0x1c6: {  	v17 =	vld [tilespmem:s14+$0xFFFFFFD0];
	vm1 =	vlt.f32 v12, $0.0e+00;
	vm2 =	vmor vm3, vm2;
	vm3 =	vgt.f32 v13, $0.0e+00;
	(xrf0) =	vmax.scan.msk.u32 vm0, v1;
	v18, _, _ =	vpop (xrf0)  }
0x1c7: {  	v19 =	vld [tilespmem:s15+$0xFFFFFFC0];
	vm0 =	vmor vm4, vm1;
	vm1 =	vlt.f32 v13, $0.0e+00;
	vm4 =	vgt.f32 v14, $0.0e+00;
	(xrf0) =	vmax.scan.msk.u32 vm2, v1;
	v20, _, _ =	vpop (xrf0)  }
0x1c8: {  	v21 =	vld [tilespmem:s14+$0xFFFFFFC0];
	vm2 =	vlt.f32 v14, $0.0e+00;
	vm1 =	vmor vm3, vm1;
	vm3 =	vgt.f32 v15, $0.0e+00;
	(xrf0) =	vmax.scan.msk.u32 vm0, v1;
	v22, _, _ =	vpop (xrf0)  }
0x1c9: {  	v18 =	vperm.xlane v3, v18;
	vm0 =	vmor vm4, vm2;
	vm2 =	vlt.f32 v15, $0.0e+00;
	(xrf0) =	vmax.scan.msk.u32 vm1, v1;
	v23, _, _ =	vpop (xrf0)  }
0x1ca: {  	vm4 =	vgt.f32 v16, $0.0e+00;
	vm1 =	vlt.f32 v16, $0.0e+00;
	vm2 =	vmor vm3, vm2;
	(xrf0) =	vmax.scan.msk.u32 vm0, v1;
	v24, _, _ =	vpop (xrf0)  }
0x1cb: {  	vm3 =	vgt.f32 v17, $0.0e+00;
	vm0 =	vmor vm4, vm1;
	vm1 =	vlt.f32 v17, $0.0e+00;
	(xrf0) =	vmax.scan.msk.u32 vm2, v1;
	v25, _, _ =	vpop (xrf0)  }
0x1cc: {  	vm4 =	vgt.f32 v19, $0.0e+00;
	vm2 =	vlt.f32 v19, $0.0e+00;
	vm1 =	vmor vm3, vm1;
	(xrf0) =	vmax.scan.msk.u32 vm0, v1;
	v26, _, _ =	vpop (xrf0)  }
0x1cd: {  	vm3 =	vgt.f32 v21, $0.0e+00;
	vm0 =	vmor vm4, vm2;
	vm2 =	vlt.f32 v21, $0.0e+00;
	(xrf0) =	vmax.scan.msk.u32 vm1, v1;
	v27, _, _ =	vpop (xrf0)  }
0x1ce: {  	v5 =	vperm.xlane v5, v20;
	v45 =	vperm.xlane v8, v24;
	vm1 =	vmor vm3, vm2;
	(xrf0) =	vmax.scan.msk.u32 vm0, v1;
	v3, _, _ =	vpop (xrf0)  }
0x1cf: {  	v6 =	vperm.xlane v6, v22;
	v23 =	vperm.xlane v7, v23;
	(xrf0) =	vmax.scan.msk.u32 vm1, v1;
	v20, _, _ =	vpop (xrf0)  }
0x1d0: {  	v9 =	vperm.xlane v9, v25;
	v46 =	vperm.xlane v10, v26;
	vm2 =	vlt.f32 v45, $0.0e+00;
	v7, _, _ =	vpop (xrf0)  }
0x1d1: {  	v47 =	vperm.xlane v11, v27;
	vm0 =	vlt.f32 v18, $0.0e+00;
	v12 =	vperm.xlane v12, v3;
	v8, _, _ =	vpop (xrf0)  }
0x1d2: {  	vm1 =	vlt.f32 v6, $0.0e+00;
	vm3 =	vlt.f32 v46, $0.0e+00;
	v10 =	vperm.xlane v14, v7;
	v3, _, _ =	vpop (xrf0)  }
0x1d3: {  	v14 =	vperm.xlane v13, v20;
	vm4 =	vlt.f32 v12, $0.0e+00;
	v13 =	vperm.xlane v15, v8;
	v7, _, _ =	vpop (xrf0)  }
0x1d4: {  	v11 =	vperm.xlane v16, v3;
	vm7 =	vlt.f32 v10, $0.0e+00;
	vm15 =	vgt.f32 v10, $0.0e+00;
	v3, _, _ =	vpop (xrf0)  }
0x1d5: {  	vm11 =	vgt.f32 v14, $0.0e+00;
	v8 =	vperm.xlane v17, v7;
	v3 =	vperm.xlane v19, v3;
	v7, _, _ =	vpop (xrf0)  }
0x1d6: {  	vm7 =	vmor vm15, vm7;
	vm6 =	vlt.f32 v11, $0.0e+00;
	v7 =	vperm.xlane v21, v7  }
0x1d7: {  	vm13 =	vgt.f32 v11, $0.0e+00;
	vm5 =	vlt.f32 v3, $0.0e+00;
	vm8 =	vgt.f32 v3, $0.0e+00  }
0x1d8: {  	vm9 =	vlt.f32 v7, $0.0e+00;
	vm10 =	vgt.f32 v7, $0.0e+00;
	vm5 =	vmor vm8, vm5  }
0x1d9: {  	vm14 =	vgt.f32 v8, $0.0e+00;
	vm12 =	vmor vm10, vm9;
	v3 =	vsel vm5, v3, v4  }
0x1da: {  	vm6 =	vmor vm13, vm6;
	v4 =	vsel vm12, v7, v4;
	v7 =	vperm.xlane v3, v2  }
0x1db: {  	vm5 =	vlt.f32 v8, $0.0e+00;
	vm9 =	vgt.f32 v13, $0.0e+00;
	v15 =	vperm.xlane v4, v2  }
0x1dc: {  	vm10 =	vgt.f32 v12, $0.0e+00;
	vm5 =	vmor vm14, vm5;
	v7 =	vsel vm6, v11, v7  }
0x1dd: {  	vm4 =	vmor vm10, vm4;
	v8 =	vsel vm5, v8, v15;
	v11 =	vperm.xlane v7, v2  }
0x1de: {  	vm12 =	vgt.f32 v46, $0.0e+00;
	vm5 =	vlt.f32 v13, $0.0e+00;
	v15 =	vperm.xlane v8, v2  }
0x1df: {  	vm3 =	vmor vm12, vm3;
	vm5 =	vmor vm9, vm5;
	v10 =	vsel vm7, v10, v11  }
0x1e0: {  	v62 =	vsub.f32 v3, v4;
	v11 =	vsel vm5, v13, v15;
	v13 =	vperm.xlane v10, v2  }
0x1e1: {  	v7 =	vsub.f32 v7, v8;
	vm5 =	vlt.f32 v14, $0.0e+00;
	v15 =	vperm.xlane v11, v2  }
0x1e2: {  	vm5 =	vmor vm11, vm5;
	v13 =	vsel vm4, v12, v13;
	vm4 =	vlt.f32 v47, $0.0e+00  }
0x1e3: {  	[tilespmem:s15+$0x30] =	vst v0;
	v14 =	vsel vm5, v14, v15;
	v12 =	vperm.xlane v13, v2;
	vm5 =	vgt.f32 v47, $0.0e+00  }
0x1e4: {  	[tilespmem:s15+$0x20] =	vst v0;
	v10 =	vsub.f32 v10, v11;
	v16 =	vperm.xlane v14, v2;
	vm4 =	vmor vm5, vm4  }
0x1e5: {  	[tilespmem:s15+$0x10] =	vst v0;
	vm5 =	vgt.f32 v45, $0.0e+00;
	v59 =	vsub.f32 v13, v14;
	v15 =	vsel vm3, v46, v12  }
0x1e6: {  	[tilespmem:s15+$0xFFFFFFD0] =	vst v0;
	vm3 =	vlt.f32 v9, $0.0e+00;
	v16 =	vsel vm4, v47, v16;
	v12 =	vperm.xlane v15, v2  }
0x1e7: {  	[tilespmem:s15+$0xFFFFFFE0] =	vst v0;
	vm2 =	vmor vm5, vm2;
	vm4 =	vgt.f32 v9, $0.0e+00;
	v17 =	vperm.xlane v16, v2  }
0x1e8: {  	s7 =	simm.s32 $0x40C0;
	[tilespmem:s15+$0xFFFFFFC0] =	vst v0;
	vm3 =	vmor vm4, vm3;
	vm4 =	vgt.f32 v6, $0.0e+00;
	v12 =	vsel vm2, v45, v12  }
0x1e9: {  	[tilespmem:s15+$0xFFFFFFF0] =	vst v0;
	vm2 =	vlt.f32 v23, $0.0e+00;
	v19 =	vsel vm3, v9, v17;
	v9 =	vld [tilespmem:s7+$0x30];
	v17 =	vperm.xlane v12, v2  }
0x1ea: {  	s2 =	simm.s32 $0x4CC0;
	[tilespmem:s15+$0x0] =	vst v0;
	vm1 =	vmor vm4, vm1;
	vm3 =	vgt.f32 v23, $0.0e+00;
	v20 =	vperm.xlane v19, v2  }
0x1eb: {  	v48 =	vld [tilespmem:s2+$0x30];
	[tilespmem:s14+$0x30] =	vst v0;
	vm2 =	vmor vm3, vm2;
	vm3 =	vgt.f32 v18, $0.0e+00;
	v6 =	vsel vm1, v6, v17  }
0x1ec: {  	[tilespmem:s14+$0x20] =	vst v0;
	vm1 =	vlt.f32 v5, $0.0e+00;
	vm0 =	vmor vm3, vm0;
	v17 =	vsel vm2, v23, v20;
	v20 =	vld [tilespmem:s7+$0x20]  }
0x1ed: {  	v50 =	vld [tilespmem:s2+$0x20];
	[tilespmem:s14+$0xFFFFFFD0] =	vst v0;
	v49 =	vperm.xlane v6, v2;
	vm2 =	vgt.f32 v5, $0.0e+00;
	v23 =	vperm.xlane v17, v2  }
0x1ee: {  	v51 =	vld [tilespmem:s7+$0x10];
	[tilespmem:s14+$0xFFFFFFE0] =	vst v0;
	v17 =	vsub.f32 v6, v17;
	vm1 =	vmor vm2, vm1;
	vm2 =	vlt.f32 v9, $0.0e+00  }
0x1ef: {  	[tilespmem:s14+$0xFFFFFFC0] =	vst v0;
	v6 =	vsel vm0, v18, v49;
	v18 =	vld [tilespmem:s2+$0x10];
	vm0 =	vgt.f32 v9, $0.0e+00;
	v52 =	vsel vm1, v5, v23  }
0x1f0: {  	v53 =	vld [tilespmem:s7+$0x0];
	[tilespmem:s14+$0xFFFFFFF0] =	vst v0;
	vm0 =	vmor vm0, vm2;
	vm1 =	vlt.f32 v48, $0.0e+00;
	vm2 =	vgt.f32 v48, $0.0e+00  }
0x1f1: {  	v54 =	vld [tilespmem:s2+$0x0];
	vm1 =	vmor vm2, vm1;
	(xrf0) =	vmax.scan.msk.u32 vm0, v1;
	vm3 =	vlt.f32 v20, $0.0e+00;
	vm4 =	vgt.f32 v20, $0.0e+00  }
0x1f2: {  	v55 =	vld [tilespmem:s7+$0xFFFFFFF0];
	vm2 =	vlt.f32 v50, $0.0e+00;
	(xrf0) =	vmax.scan.msk.u32 vm1, v1;
	vm0 =	vmor vm4, vm3;
	vm3 =	vgt.f32 v50, $0.0e+00  }
0x1f3: {  	v28 =	vld [tilespmem:s2+$0xFFFFFFF0];
	vm1 =	vlt.f32 v51, $0.0e+00;
	vm4 =	vgt.f32 v51, $0.0e+00;
	vm2 =	vmor vm3, vm2;
	(xrf0) =	vmax.scan.msk.u32 vm0, v1  }
0x1f4: {  	v29 =	vld [tilespmem:s7+$0xFFFFFFE0];
	vm0 =	vmor vm4, vm1;
	vm1 =	vlt.f32 v18, $0.0e+00;
	vm3 =	vgt.f32 v18, $0.0e+00;
	(xrf0) =	vmax.scan.msk.u32 vm2, v1  }
0x1f5: {  	v30 =	vld [tilespmem:s2+$0xFFFFFFE0];
	vm4 =	vgt.f32 v53, $0.0e+00;
	vm2 =	vlt.f32 v53, $0.0e+00;
	vm1 =	vmor vm3, vm1;
	(xrf0) =	vmax.scan.msk.u32 vm0, v1  }
0x1f6: {  	v31 =	vld [tilespmem:s7+$0xFFFFFFD0];
	vm3 =	vgt.f32 v54, $0.0e+00;
	vm0 =	vmor vm4, vm2;
	vm2 =	vlt.f32 v54, $0.0e+00;
	(xrf0) =	vmax.scan.msk.u32 vm1, v1  }
0x1f7: {  	v32 =	vld [tilespmem:s2+$0xFFFFFFD0];
	vm4 =	vgt.f32 v55, $0.0e+00;
	vm1 =	vlt.f32 v55, $0.0e+00;
	vm2 =	vmor vm3, vm2;
	v5, _, _ =	vpop (xrf0);
	(xrf0) =	vmax.scan.msk.u32 vm0, v1  }
0x1f8: {  	v33 =	vld [tilespmem:s7+$0xFFFFFFC0];
	vm3 =	vgt.f32 v28, $0.0e+00;
	vm0 =	vmor vm4, vm1;
	vm1 =	vlt.f32 v28, $0.0e+00;
	v34, _, _ =	vpop (xrf0);
	(xrf0) =	vmax.scan.msk.u32 vm2, v1  }
0x1f9: {  	v35 =	vld [tilespmem:s2+$0xFFFFFFC0];
	vm4 =	vgt.f32 v29, $0.0e+00;
	vm2 =	vlt.f32 v29, $0.0e+00;
	vm1 =	vmor vm3, vm1;
	(xrf0) =	vmax.scan.msk.u32 vm0, v1;
	v36, _, _ =	vpop (xrf0)  }
0x1fa: {  	vm3 =	vgt.f32 v30, $0.0e+00;
	vm0 =	vmor vm4, vm2;
	vm2 =	vlt.f32 v30, $0.0e+00;
	(xrf0) =	vmax.scan.msk.u32 vm1, v1;
	v37, _, _ =	vpop (xrf0)  }
0x1fb: {  	vm4 =	vgt.f32 v31, $0.0e+00;
	vm1 =	vlt.f32 v31, $0.0e+00;
	vm2 =	vmor vm3, vm2;
	(xrf0) =	vmax.scan.msk.u32 vm0, v1;
	v38, _, _ =	vpop (xrf0)  }
0x1fc: {  	vm3 =	vgt.f32 v32, $0.0e+00;
	vm0 =	vmor vm4, vm1;
	vm1 =	vlt.f32 v32, $0.0e+00;
	(xrf0) =	vmax.scan.msk.u32 vm2, v1;
	v39, _, _ =	vpop (xrf0)  }
0x1fd: {  	vm4 =	vgt.f32 v33, $0.0e+00;
	vm2 =	vlt.f32 v33, $0.0e+00;
	vm1 =	vmor vm3, vm1;
	(xrf0) =	vmax.scan.msk.u32 vm0, v1;
	v41, _, _ =	vpop (xrf0)  }
0x1fe: {  	vm3 =	vgt.f32 v35, $0.0e+00;
	vm0 =	vmor vm4, vm2;
	vm2 =	vlt.f32 v35, $0.0e+00;
	(xrf0) =	vmax.scan.msk.u32 vm1, v1;
	v42, _, _ =	vpop (xrf0)  }
0x1ff: {  	v40 =	vperm.xlane v6, v2;
	v43 =	vperm.xlane v52, v2;
	vm1 =	vmor vm3, vm2;
	(xrf0) =	vmax.scan.msk.u32 vm0, v1;
	v44, _, _ =	vpop (xrf0)  }
0x200: {  	v15 =	vsub.f32 v15, v16;
	v5 =	vperm.xlane v9, v5;
	v9 =	vperm.xlane v20, v36;
	(xrf0) =	vmax.scan.msk.u32 vm1, v1;
	v20, _, _ =	vpop (xrf0)  }
0x201: {  	[tilespmem:s14+$0x0] =	vst v0;
	v22 =	vsub.f32 v6, v52;
	v6 =	vperm.xlane v48, v34;
	v56 =	vperm.xlane v51, v38;
	v57, _, _ =	vpop (xrf0)  }
0x202: {  	[tilespmem:s14+$0x10] =	vst v0;
	v19 =	vsub.f32 v12, v19;
	v12 =	vperm.xlane v50, v37;
	v18 =	vperm.xlane v18, v39;
	v58, _, _ =	vpop (xrf0)  }
0x203: {  	[tilespmem:s7+$0xFFFFFFD0] =	vst v0;
	v16 =	vperm.xlane v53, v41;
	vm2 =	vlt.f32 v56, $0.0e+00;
	v26 =	vperm.xlane v54, v42;
	v14, _, _ =	vpop (xrf0)  }
0x204: {  	[tilespmem:s7+$0xFFFFFFE0] =	vst v0;
	vm0 =	vlt.f32 v5, $0.0e+00;
	v13 =	vperm.xlane v55, v44;
	vm1 =	vlt.f32 v9, $0.0e+00;
	v60, _, _ =	vpop (xrf0)  }
0x205: {  	[tilespmem:s7+$0xFFFFFFC0] =	vst v0;
	vm3 =	vlt.f32 v16, $0.0e+00;
	v20 =	vperm.xlane v28, v20;
	v11 =	vperm.xlane v29, v57;
	v61, _, _ =	vpop (xrf0)  }
0x206: {  	[tilespmem:s7+$0xFFFFFFF0] =	vst v0;
	vm4 =	vlt.f32 v13, $0.0e+00;
	v8 =	vperm.xlane v31, v14;
	v3 =	vperm.xlane v33, v61;
	v4, _, _ =	vpop (xrf0)  }
0x207: {  	[tilespmem:s7+$0x0] =	vst v0;
	v14 =	vperm.xlane v30, v58;
	vm7 =	vlt.f32 v11, $0.0e+00;
	v4 =	vperm.xlane v35, v4  }
0x208: {  	[tilespmem:s2+$0xFFFFFFD0] =	vst v0;
	v63 =	vperm.xlane v32, v60;
	vm6 =	vlt.f32 v8, $0.0e+00;
	vm5 =	vlt.f32 v3, $0.0e+00  }
0x209: {  	[tilespmem:s2+$0xFFFFFFE0] =	vst v0;
	vm13 =	vgt.f32 v3, $0.0e+00;
	vm14 =	vlt.f32 v4, $0.0e+00;
	vm15 =	vgt.f32 v4, $0.0e+00  }
0x20a: {  	[tilespmem:s2+$0xFFFFFFC0] =	vst v0;
	vm5 =	vmor vm13, vm5;
	vm13 =	vgt.f32 v8, $0.0e+00;
	vm12 =	vmor vm15, vm14  }
0x20b: {  	[tilespmem:s0+$0x0] =	vst v15;
	v3 =	vsel vm5, v3, v40;
	vm5 =	vlt.f32 v63, $0.0e+00;
	v4 =	vsel vm12, v4, v43  }
0x20c: {  	[tilespmem:s0+$0x20] =	vst v17;
	vm14 =	vgt.f32 v63, $0.0e+00;
	v15 =	vperm.xlane v3, v2;
	v17 =	vperm.xlane v4, v2  }
0x20d: {  	[tilespmem:s2+$0xFFFFFFF0] =	vst v0;
	vm6 =	vmor vm13, vm6;
	vm15 =	vgt.f32 v11, $0.0e+00;
	vm5 =	vmor vm14, vm5  }
0x20e: {  	[tilespmem:s0+$0xFFFFFFD0] =	vst v7;
	vm12 =	vgt.f32 v14, $0.0e+00;
	v7 =	vsel vm6, v8, v15;
	v8 =	vsel vm5, v63, v17  }
0x20f: {  	[tilespmem:s2+$0x0] =	vst v0;
	vm5 =	vlt.f32 v14, $0.0e+00;
	v15 =	vperm.xlane v7, v2;
	v17 =	vperm.xlane v8, v2  }
0x210: {  	[tilespmem:s0+$0xFFFFFFC0] =	vst v62;
	vm13 =	vgt.f32 v13, $0.0e+00;
	vm7 =	vmor vm15, vm7;
	vm5 =	vmor vm12, vm5  }
0x211: {  	[tilespmem:s0+$0xFFFFFFE0] =	vst v10;
	vm14 =	vgt.f32 v20, $0.0e+00;
	v10 =	vsel vm7, v11, v15;
	v11 =	vsel vm5, v14, v17  }
0x212: {  	[tilespmem:s0+$0xFFFFFFF0] =	vst v59;
	vm5 =	vlt.f32 v20, $0.0e+00;
	v14 =	vperm.xlane v10, v2;
	v15 =	vperm.xlane v11, v2  }
0x213: {  	[tilespmem:s7+$0x30] =	vst v0;
	vm4 =	vmor vm13, vm4;
	vm15 =	vgt.f32 v16, $0.0e+00;
	vm5 =	vmor vm14, vm5  }
0x214: {  	[tilespmem:s2+$0x30] =	vst v0;
	v13 =	vsel vm4, v13, v14;
	vm4 =	vlt.f32 v26, $0.0e+00;
	v14 =	vsel vm5, v20, v15  }
0x215: {  	[tilespmem:s7+$0x20] =	vst v0;
	v15 =	vperm.xlane v13, v2;
	vm5 =	vgt.f32 v26, $0.0e+00;
	v17 =	vperm.xlane v14, v2  }
0x216: {  	[tilespmem:s0+$0x10] =	vst v19;
	vm3 =	vmor vm15, vm3;
	vm4 =	vmor vm5, vm4;
	vm5 =	vgt.f32 v56, $0.0e+00  }
0x217: {  	[tilespmem:s2+$0x20] =	vst v0;
	v15 =	vsel vm3, v16, v15;
	vm3 =	vlt.f32 v18, $0.0e+00;
	v16 =	vsel vm4, v26, v17  }
0x218: {  	[tilespmem:s7+$0x10] =	vst v0;
	v17 =	vperm.xlane v15, v2;
	vm4 =	vgt.f32 v18, $0.0e+00;
	v19 =	vperm.xlane v16, v2  }
0x219: {  	[tilespmem:s2+$0x10] =	vst v0;
	vm5 =	vmor vm5, vm2;
	vm2 =	vgt.f32 v9, $0.0e+00;
	vm3 =	vmor vm4, vm3  }
0x21a: {  	s15 =	simm.s32 $0x4140;
	s14 =	simm.s32 $0x80;
	[tilespmem:s0+$0x30] =	vst v22;
	v17 =	vsel vm5, v56, v17;
	v18 =	vsel vm3, v18, v19;
	vm3 =	vlt.f32 v12, $0.0e+00  }
.LBB2_11:
0x21b: {  	v21 =	vld [tilespmem:s15+$0x30];
	v19 =	vperm.xlane v17, v2;
	v20 =	vperm.xlane v18, v2;
	vm4 =	vgt.f32 v12, $0.0e+00  }
0x21c: {  	vm1 =	vmor vm2, vm1;
	s2 =	sadd.s32 $0x80, s2;
	vm2 =	vmor vm4, vm3;
	vm3 =	vgt.f32 v5, $0.0e+00  }
0x21d: {  	v22 =	vld [tilespmem:s2+$0x30];
	[tilespmem:s15+$0x30] =	vst v0;
	v9 =	vsel vm1, v9, v19;
	v12 =	vsel vm2, v12, v20;
	vm1 =	vlt.f32 v6, $0.0e+00  }
0x21e: {  	vm2 =	vgt.f32 v6, $0.0e+00;
	v23 =	vld [tilespmem:s15+$0x20];
	[tilespmem:s2+$0x30] =	vst v0;
	v19 =	vperm.xlane v9, v2;
	v20 =	vperm.xlane v12, v2  }
0x21f: {  	vm0 =	vmor vm3, vm0;
	v9 =	vsub.f32 v9, v12;
	vm1 =	vmor vm2, vm1;
	v24 =	vld [tilespmem:s2+$0x20];
	[tilespmem:s15+$0x20] =	vst v0  }
0x220: {  	s0 =	sadd.s32 $0x80, s0;
	v12 =	vld [tilespmem:s15+$0x10];
	[tilespmem:s2+$0x20] =	vst v0;
	vm2 =	vlt.f32 v21, $0.0e+00;
	v25 =	vsel vm0, v5, v19;
	v6 =	vsel vm1, v6, v20  }
0x221: {  	vm0 =	vgt.f32 v21, $0.0e+00;
	v26 =	vld [tilespmem:s2+$0x10];
	[tilespmem:s0+$0x20] =	vst v9;
	v19 =	vperm.xlane v25, v2;
	v20 =	vperm.xlane v6, v2  }
0x222: {  	vm0 =	vmor vm0, vm2;
	v27 =	vld [tilespmem:s15+$0x0];
	[tilespmem:s15+$0x10] =	vst v0;
	vm1 =	vlt.f32 v22, $0.0e+00;
	vm2 =	vgt.f32 v22, $0.0e+00  }
0x223: {  	v28 =	vld [tilespmem:s2+$0x0];
	vm3 =	vlt.f32 v23, $0.0e+00;
	vm4 =	vgt.f32 v23, $0.0e+00;
	vm1 =	vmor vm2, vm1;
	(xrf0) =	vmax.scan.msk.u32 vm0, v1  }
0x224: {  	v29 =	vld [tilespmem:s15+$0xFFFFFFF0];
	vm0 =	vmor vm4, vm3;
	vm2 =	vlt.f32 v24, $0.0e+00;
	vm3 =	vgt.f32 v24, $0.0e+00;
	(xrf0) =	vmax.scan.msk.u32 vm1, v1  }
0x225: {  	v30 =	vld [tilespmem:s2+$0xFFFFFFF0];
	vm1 =	vlt.f32 v12, $0.0e+00;
	vm4 =	vgt.f32 v12, $0.0e+00;
	vm2 =	vmor vm3, vm2;
	(xrf0) =	vmax.scan.msk.u32 vm0, v1  }
0x226: {  	v31 =	vld [tilespmem:s15+$0xFFFFFFE0];
	vm0 =	vmor vm4, vm1;
	vm1 =	vlt.f32 v26, $0.0e+00;
	vm3 =	vgt.f32 v26, $0.0e+00;
	(xrf0) =	vmax.scan.msk.u32 vm2, v1  }
0x227: {  	v32 =	vld [tilespmem:s2+$0xFFFFFFE0];
	vm2 =	vlt.f32 v27, $0.0e+00;
	vm4 =	vgt.f32 v27, $0.0e+00;
	vm1 =	vmor vm3, vm1;
	(xrf0) =	vmax.scan.msk.u32 vm0, v1  }
0x228: {  	v33 =	vld [tilespmem:s15+$0xFFFFFFD0];
	vm0 =	vmor vm4, vm2;
	vm2 =	vlt.f32 v28, $0.0e+00;
	vm3 =	vgt.f32 v28, $0.0e+00;
	(xrf0) =	vmax.scan.msk.u32 vm1, v1  }
0x229: {  	v34 =	vld [tilespmem:s2+$0xFFFFFFD0];
	vm1 =	vlt.f32 v29, $0.0e+00;
	vm4 =	vgt.f32 v29, $0.0e+00;
	vm2 =	vmor vm3, vm2;
	(xrf0) =	vmax.scan.msk.u32 vm0, v1;
	v5, _, _ =	vpop (xrf0)  }
0x22a: {  	s14 =	sadd.s32 $0x80, s14;
	v35 =	vld [tilespmem:s15+$0xFFFFFFC0];
	vm0 =	vmor vm4, vm1;
	vm1 =	vlt.f32 v30, $0.0e+00;
	vm3 =	vgt.f32 v30, $0.0e+00;
	(xrf0) =	vmax.scan.msk.u32 vm2, v1;
	v36, _, _ =	vpop (xrf0)  }
0x22b: {  	p0 =	slt.u32 s14, $0xB80;
	v37 =	vld [tilespmem:s2+$0xFFFFFFC0];
	vm2 =	vlt.f32 v31, $0.0e+00;
	vm4 =	vgt.f32 v31, $0.0e+00;
	vm1 =	vmor vm3, vm1;
	(xrf0) =	vmax.scan.msk.u32 vm0, v1;
	v9, _, _ =	vpop (xrf0)  }
0x22c: {  	vm0 =	vmor vm4, vm2;
	vm2 =	vlt.f32 v32, $0.0e+00;
	vm3 =	vgt.f32 v32, $0.0e+00;
	(xrf0) =	vmax.scan.msk.u32 vm1, v1;
	v38, _, _ =	vpop (xrf0)  }
0x22d: {  	vm1 =	vlt.f32 v33, $0.0e+00;
	vm4 =	vgt.f32 v33, $0.0e+00;
	vm2 =	vmor vm3, vm2;
	(xrf0) =	vmax.scan.msk.u32 vm0, v1;
	v39, _, _ =	vpop (xrf0)  }
0x22e: {  	vm0 =	vmor vm4, vm1;
	vm1 =	vlt.f32 v34, $0.0e+00;
	vm3 =	vgt.f32 v34, $0.0e+00;
	(xrf0) =	vmax.scan.msk.u32 vm2, v1;
	v40, _, _ =	vpop (xrf0)  }
0x22f: {  	vm2 =	vlt.f32 v35, $0.0e+00;
	vm4 =	vgt.f32 v35, $0.0e+00;
	vm1 =	vmor vm3, vm1;
	(xrf0) =	vmax.scan.msk.u32 vm0, v1;
	v41, _, _ =	vpop (xrf0)  }
0x230: {  	vm0 =	vmor vm4, vm2;
	vm2 =	vlt.f32 v37, $0.0e+00;
	vm3 =	vgt.f32 v37, $0.0e+00;
	(xrf0) =	vmax.scan.msk.u32 vm1, v1;
	v42, _, _ =	vpop (xrf0)  }
0x231: {  	v43 =	vsub.f32 v25, v6;
	v5 =	vperm.xlane v21, v5;
	vm1 =	vmor vm3, vm2;
	(xrf0) =	vmax.scan.msk.u32 vm0, v1;
	v21, _, _ =	vpop (xrf0)  }
0x232: {  	v17 =	vsub.f32 v17, v18;
	v6 =	vperm.xlane v22, v36;
	v9 =	vperm.xlane v23, v9;
	(xrf0) =	vmax.scan.msk.u32 vm1, v1;
	v22, _, _ =	vpop (xrf0)  }
0x233: {  	v15 =	vsub.f32 v15, v16;
	v18 =	vperm.xlane v12, v39;
	v12 =	vperm.xlane v24, v38;
	v23, _, _ =	vpop (xrf0);
	[tilespmem:s0+$0x30] =	vst v43  }
0x234: {  	v13 =	vsub.f32 v13, v14;
	v24 =	vperm.xlane v26, v40;
	v16 =	vperm.xlane v27, v41;
	v25, _, _ =	vpop (xrf0);
	[tilespmem:s0+$0x10] =	vst v17  }
0x235: {  	v10 =	vsub.f32 v10, v11;
	v14 =	vperm.xlane v29, v21;
	v17 =	vperm.xlane v28, v42;
	v21, _, _ =	vpop (xrf0);
	[tilespmem:s0+$0x0] =	vst v15  }
0x236: {  	v7 =	vsub.f32 v7, v8;
	v11 =	vperm.xlane v31, v23;
	v15 =	vperm.xlane v30, v22;
	[tilespmem:s15+$0xFFFFFFD0] =	vst v0;
	v22, _, _ =	vpop (xrf0)  }
0x237: {  	v8 =	vperm.xlane v33, v21;
	v21 =	vperm.xlane v32, v25;
	v25 =	vsub.f32 v3, v4;
	[tilespmem:s2+$0xFFFFFFD0] =	vst v0;
	v23, _, _ =	vpop (xrf0)  }
0x238: {  	v22 =	vperm.xlane v34, v22;
	v3 =	vperm.xlane v35, v23;
	v4, _, _ =	vpop (xrf0);
	[tilespmem:s0+$0xFFFFFFD0] =	vst v7  }
0x239: {  	vm0 =	vlt.f32 v5, $0.0e+00;
	vm1 =	vlt.f32 v9, $0.0e+00;
	v4 =	vperm.xlane v37, v4;
	[tilespmem:s15+$0xFFFFFFE0] =	vst v0  }
0x23a: {  	vm2 =	vlt.f32 v18, $0.0e+00;
	vm3 =	vlt.f32 v16, $0.0e+00;
	vm4 =	vlt.f32 v14, $0.0e+00;
	[tilespmem:s2+$0xFFFFFFE0] =	vst v0  }
0x23b: {  	vm5 =	vlt.f32 v11, $0.0e+00;
	vm7 =	vlt.f32 v8, $0.0e+00;
	vm6 =	vlt.f32 v3, $0.0e+00;
	[tilespmem:s0+$0xFFFFFFE0] =	vst v10  }
0x23c: {  	vm8 =	vgt.f32 v3, $0.0e+00;
	vm9 =	vlt.f32 v4, $0.0e+00;
	vm10 =	vgt.f32 v4, $0.0e+00;
	[tilespmem:s15+$0xFFFFFFC0] =	vst v0  }
0x23d: {  	vm6 =	vmor vm8, vm6;
	vm8 =	vmor vm10, vm9;
	vm9 =	vgt.f32 v8, $0.0e+00;
	[tilespmem:s2+$0xFFFFFFC0] =	vst v0  }
0x23e: {  	v3 =	vsel vm6, v3, v19;
	vm6 =	vlt.f32 v22, $0.0e+00;
	v4 =	vsel vm8, v4, v20;
	[tilespmem:s15+$0xFFFFFFF0] =	vst v0  }
0x23f: {  	v7 =	vperm.xlane v3, v2;
	vm8 =	vgt.f32 v22, $0.0e+00;
	v10 =	vperm.xlane v4, v2;
	[tilespmem:s0+$0xFFFFFFC0] =	vst v25  }
0x240: {  	vm7 =	vmor vm9, vm7;
	vm6 =	vmor vm8, vm6;
	vm8 =	vgt.f32 v11, $0.0e+00;
	[tilespmem:s2+$0xFFFFFFF0] =	vst v0  }
0x241: {  	v7 =	vsel vm7, v8, v7;
	v8 =	vsel vm6, v22, v10;
	vm6 =	vlt.f32 v21, $0.0e+00;
	[tilespmem:s0+$0xFFFFFFF0] =	vst v13  }
0x242: {  	vm7 =	vgt.f32 v21, $0.0e+00;
	v10 =	vperm.xlane v7, v2;
	v13 =	vperm.xlane v8, v2;
	[tilespmem:s15+$0x0] =	vst v0  }
0x243: {  	vm5 =	vmor vm8, vm5;
	vm6 =	vmor vm7, vm6;
	vm7 =	vgt.f32 v14, $0.0e+00;
	[tilespmem:s2+$0x0] =	vst v0  }
0x244: {  	v10 =	vsel vm5, v11, v10;
	vm5 =	vlt.f32 v15, $0.0e+00;
	v11 =	vsel vm6, v21, v13;
	[tilespmem:s2+$0x10] =	vst v0  }
0x245: {  	v13 =	vperm.xlane v10, v2;
	vm6 =	vgt.f32 v15, $0.0e+00;
	v19 =	vperm.xlane v11, v2  }
0x246: {  	vm4 =	vmor vm7, vm4;
	vm5 =	vmor vm6, vm5;
	vm6 =	vgt.f32 v16, $0.0e+00  }
0x247: {  	v13 =	vsel vm4, v14, v13;
	vm4 =	vlt.f32 v17, $0.0e+00;
	v14 =	vsel vm5, v15, v19  }
0x248: {  	v15 =	vperm.xlane v13, v2;
	vm5 =	vgt.f32 v17, $0.0e+00;
	v19 =	vperm.xlane v14, v2  }
.Ltmp4:
0x249: {  	vm3 =	vmor vm6, vm3;
	vm4 =	vmor vm5, vm4;
	vm5 =	vgt.f32 v18, $0.0e+00;
	(pc) =	sbr.rel @p0 .LBB2_11-.Ltmp4, $4  }
0x24a: {  	v15 =	vsel vm3, v16, v15;
	vm3 =	vlt.f32 v24, $0.0e+00;
	v16 =	vsel vm4, v17, v19  }
0x24b: {  	v17 =	vperm.xlane v15, v2;
	vm4 =	vgt.f32 v24, $0.0e+00;
	v19 =	vperm.xlane v16, v2  }
0x24c: {  	vm5 =	vmor vm5, vm2;
	vm2 =	vgt.f32 v9, $0.0e+00;
	vm3 =	vmor vm4, vm3  }
0x24d: {  	s15 =	sadd.s32 $0x80, s15;
	v17 =	vsel vm5, v18, v17;
	v18 =	vsel vm3, v24, v19;
	vm3 =	vlt.f32 v12, $0.0e+00  }
0x24e: {  	v19 =	vperm.xlane v17, v2;
	v20 =	vperm.xlane v18, v2  }
0x24f: {  	vm4 =	vgt.f32 v12, $0.0e+00;
	vm1 =	vmor vm2, vm1;
	v59 =	vsub.f32 v17, v18  }
0x250: {  	vm13 =	vgt.f32 v5, $0.0e+00;
	vm14 =	vlt.f32 v6, $0.0e+00;
	s0 =	sadd.s32 $0x80, s0;
	v60 =	vsub.f32 v15, v16  }
0x251: {  	vm15 =	vgt.f32 v6, $0.0e+00;
	v61 =	vsub.f32 v7, v8;
	vm12 =	vmor vm4, vm3;
	[tilespmem:s0+$0x10] =	vst v59  }
0x252: {  	v62 =	vsub.f32 v10, v11;
	v9 =	vsel vm1, v9, v19;
	v56 =	vsel vm12, v12, v20;
	[tilespmem:s0+$0x0] =	vst v60  }
0x253: {  	v3 =	vsub.f32 v3, v4;
	[tilespmem:s0+$0xFFFFFFD0] =	vst v61;
	v19 =	vperm.xlane v9, v2;
	v20 =	vperm.xlane v56, v2  }
0x254: {  	v63 =	vsub.f32 v13, v14;
	p0 =	sne.s32 s28, $0x10;
	vm0 =	vmor vm13, vm0;
	vm1 =	vmor vm15, vm14;
	[tilespmem:s0+$0xFFFFFFE0] =	vst v62  }
.Ltmp5:
0x255: {  	[tilespmem:s0+$0xFFFFFFC0] =	vst v3;
	v9 =	vsub.f32 v9, v56;
	v57 =	vsel vm0, v5, v19;
	v58 =	vsel vm1, v6, v20;
	(pc) =	sbr.rel @p0 .LBB2_4-.Ltmp5, $4  }
0x256: {  	s2 =	sor.u32 s29, s30;
	[tilespmem:s0+$0xFFFFFFF0] =	vst v63;
	v5 =	vsub.f32 v57, v58  }
0x257: {  	s2 =	sshrl.u32 s2, $0x3;
	[tilespmem:s0+$0x20] =	vst v9  }
0x258: {  	s31 =	sadd.s32 s6, s2;
	[tilespmem:s0+$0x30] =	vst v5  }
0x259: {  	[hbm4b:s31+s12] =	stream.strided.scatter [tilespmem:s25], [sflag:$0x2], $0xC00, s13, s12, $0x38;
	[tilespmem:$0x7000] =	vst v63  }
0x25a: {  	s4 =	sadd.s32 $0x1, s4  }
0x25b: {  	_ =	swait.ge [sflag:s26], $0xC00;
	p0 =	sne.s32 s4, s11  }
.Ltmp6:
0x25c: {  	[sflag:s26] =	ssyncset.done $0x0;
	(pc) =	sbr.rel @p0 .LBB2_1-.Ltmp6, $4  }
0x25d: {  	[sflag:s26] =	ssyncadd.s32 $0xFFFFF400  }
0x25e: {  	_ =	swait.ge [sflag:s26], $0xC00  }
0x25f: {  	[sflag:s26] =	ssyncset.done $0x0  }
0x260: {  	[sflag:s26] =	ssyncadd.s32 $0xFFFFF400  }
0x261: {  	_ =	sfence.sel $0x180000  }
0x262: {  	[bflag:$0x0] =	sbarrier.arrive $0xFFFF  }
0x263: {  	_ =	strace $0x90000047  }
0x264: {  	s0 =	stileid.u32;
	[bflag:$0x2] =	sbarrier.arrive $0xFFFF  }
0x265: {  	p0 =	sne.s32 s0, $0x0;
	s0 =	rddreg [dreg:$0x3]  }
0x266: {  	s0 =	sadd.s32 @!p0 $0x100000, s0  }
0x267: {  	[sflag:s0] =	ssyncadd.tile.s32 @!p0 $0x1;
	_ =	shalt  }
.Lfunc_end2:
_tile_overlayer_lowered:
.L_overlay_start_2:
0x268: {  	(tag) =	ssettag $0x2  }
0x269: {  	s0 =	rddreg [dreg:$0x0];
	s2 =	stileid.u32  }
0x26a: {  	s1 =	rddreg [dreg:$0x1];
	p0 =	sne.s32 s2, $0x0  }
0x26b: {  	s3 =	rddreg [dreg:$0x2];
	[bflag:$0x3] =	sbarrier.arrive $0xFFFF;
	s2 =	simm.s32 @!p0 $0x1C03  }
0x26c: {  	[timem:s3], [sflag:s2] =	dma.local @!p0 [hbm:s0], s1  }
0x26d: {  	s0 =	simm.s32 @!p0 $0x3  }
0x26e: {  	_ =	swait.ge @!p0 [sflag:s0], s1  }
0x26f: {  	s1 =	ssub.s32 @!p0 $0x0, s1;
	[sflag:s0] =	ssyncset.done @!p0 $0x0  }
0x270: {  	[sflag:s0] =	ssyncadd.s32 @!p0 s1  }
0x271: {  	[bflag:$0x3] =	sbarrier.arrive $0xFFFF  }
0x272: {  	_ =	shalt  }

</sc_bundles>
